<compile_context>
chip_gen: v7x
topology: tpu7x:2x2x1
jax: 0.10.2.dev20260603
libtpu: 0.0.44.dev20260713+nightly
codegen_flags: <defaults>
</compile_context>

<pallas_src>
import jax
import jax.numpy as jnp
from jax import lax
from jax.experimental import pallas as pl
from jax.experimental.pallas import tpu as pltpu
from jax.experimental.pallas import tpu_sc as plsc

N = 10000
NP = 10240
E = 320000
D = 128
G = 16
NPG = N // G

NC = 2
NS = 16
NW = NC * NS
K = 80
NCHUNK = 125
RPT = NP // NS


def _sc_agg_body(h_hbm, src_hbm, dst_hbm, zrows_hbm, out_hbm,
                 agg_sh, s0_v, s1_v, s2_v, s3_v, d0_v, d1_v, d2_v, d3_v,
                 r0_v, r1_v, isems, gsems):
    cid = lax.axis_index("c")
    sid = lax.axis_index("s")
    wid = sid * NC + cid
    base = wid * NCHUNK * K
    svs = (s0_v, s1_v, s2_v, s3_v)
    dvs = (d0_v, d1_v, d2_v, d3_v)
    rvs = (r0_v, r1_v)

    for q in range(4):
        pltpu.async_copy(src_hbm.at[pl.ds(base + q * K, K)], svs[q],
                         isems.at[q])
        pltpu.async_copy(dst_hbm.at[pl.ds(base + q * K, K)], dvs[q],
                         isems.at[q])
    pltpu.sync_copy(zrows_hbm, agg_sh.at[pl.ds(sid * RPT, RPT)])
    for q in range(2):
        pltpu.make_async_copy(src_hbm.at[pl.ds(base + q * K, K)], svs[q],
                              isems.at[q]).wait()
        pltpu.make_async_copy(dst_hbm.at[pl.ds(base + q * K, K)], dvs[q],
                              isems.at[q]).wait()
        pltpu.async_copy(h_hbm.at[svs[q]], rvs[q], gsems.at[q])
    plsc.subcore_barrier()

    def chunk_step(i, q4, q2):
        off = base + i * K
        pltpu.make_async_copy(h_hbm.at[svs[q4]], rvs[q2],
                              gsems.at[q2]).wait()
        pltpu.sync_copy(rvs[q2], agg_sh.at[dvs[q4]], add=True)

        @pl.when(i + 4 < NCHUNK)
        def _():
            pltpu.async_copy(src_hbm.at[pl.ds(off + 4 * K, K)], svs[q4],
                             isems.at[q4])
            pltpu.async_copy(dst_hbm.at[pl.ds(off + 4 * K, K)], dvs[q4],
                             isems.at[q4])

        @pl.when(i + 2 < NCHUNK)
        def _():
            qn = (q4 + 2) % 4
            pltpu.make_async_copy(src_hbm.at[pl.ds(off + 2 * K, K)],
                                  svs[qn], isems.at[qn]).wait()
            pltpu.make_async_copy(dst_hbm.at[pl.ds(off + 2 * K, K)],
                                  dvs[qn], isems.at[qn]).wait()
            pltpu.async_copy(h_hbm.at[svs[qn]], rvs[q2], gsems.at[q2])

    def body(j, _):
        for u in range(4):
            chunk_step(4 * j + u, u, u % 2)
        return 0

    lax.fori_loop(0, NCHUNK // 4, body, 0)
    for i in range((NCHUNK // 4) * 4, NCHUNK):
        chunk_step(i, i % 4, i % 2)
    plsc.subcore_barrier()
    pltpu.sync_copy(agg_sh.at[pl.ds(sid * RPT, RPT)],
                    out_hbm.at[cid, pl.ds(sid * RPT, RPT)])


_sc_agg = pl.kernel(
    _sc_agg_body,
    out_type=jax.ShapeDtypeStruct((NC, NP, D), jnp.float32),
    mesh=plsc.VectorSubcoreMesh(core_axis_name="c", subcore_axis_name="s"),
    scratch_types=(
        [pltpu.VMEM_SHARED((NP, D), jnp.float32)]
        + [pltpu.VMEM((K,), jnp.int32) for _ in range(8)]
        + [pltpu.VMEM((K, D), jnp.float32) for _ in range(2)]
        + [pltpu.SemaphoreType.DMA((4,)), pltpu.SemaphoreType.DMA((2,))]
    ),
)


def _tc_layer_body(p_ref, w_ref, b_ref, o_ref):
    a = p_ref[0] + p_ref[1]
    z = jnp.dot(a, w_ref[...], preferred_element_type=jnp.float32) + b_ref[...]
    o_ref[...] = jnp.maximum(z, 0.2 * z)


def _tc_layer(partials, w, b):
    R = 2048
    return pl.pallas_call(
        _tc_layer_body,
        out_shape=jax.ShapeDtypeStruct((NP, D), jnp.float32),
        grid=(NP // R,),
        in_specs=[
            pl.BlockSpec((NC, R, D), lambda i: (0, i, 0)),
            pl.BlockSpec((D, D), lambda i: (0, 0)),
            pl.BlockSpec((1, D), lambda i: (0, 0)),
        ],
        out_specs=pl.BlockSpec((R, D), lambda i: (i, 0)),
    )(partials, w, b.reshape(1, D))


def _tc_pool_body(p_ref, w_ref, b_ref, o_ref):
    a = p_ref[0] + p_ref[1]
    z = jnp.dot(a, w_ref[...], preferred_element_type=jnp.float32) + b_ref[...]
    h = jnp.maximum(z, 0.2 * z)
    hh = h.reshape(-1, NPG, D)
    o_ref[...] = jnp.sum(hh, axis=1) * (1.0 / NPG)


def _tc_pool(partials, w, b):
    GB = 8
    R = GB * NPG
    return pl.pallas_call(
        _tc_pool_body,
        out_shape=jax.ShapeDtypeStruct((G, D), jnp.float32),
        grid=(G // GB,),
        in_specs=[
            pl.BlockSpec((NC, R, D), lambda i: (0, i, 0)),
            pl.BlockSpec((D, D), lambda i: (0, 0)),
            pl.BlockSpec((1, D), lambda i: (0, 0)),
        ],
        out_specs=pl.BlockSpec((GB, D), lambda i: (i, 0)),
    )(partials, w, b.reshape(1, D))


def _tc_mlp_body(p_ref, w1_ref, b1_ref, w2_ref, b2_ref, o_ref):
    z = jnp.dot(p_ref[...], w1_ref[...], preferred_element_type=jnp.float32)
    z = z + b1_ref[...]
    g = jnp.maximum(z, 0.2 * z)
    o_ref[...] = jnp.dot(g, w2_ref[...],
                         preferred_element_type=jnp.float32) + b2_ref[...]


def _tc_mlp(pooled, w1, b1, w2, b2):
    C = w2.shape[1]
    H2 = w1.shape[1]
    return pl.pallas_call(
        _tc_mlp_body,
        out_shape=jax.ShapeDtypeStruct((G, C), jnp.float32),
    )(pooled, w1, b1.reshape(1, H2), w2, b2.reshape(1, C))


def kernel(x, edge_index, batch, W1, b1, W2, b2, lin1_w, lin1_b, lin2_w, lin2_b):
    src = edge_index[0]
    dst = edge_index[1]
    zrows = jnp.zeros((RPT, D), jnp.float32)

    p1 = _sc_agg(x, src, dst, zrows)
    h1 = _tc_layer(p1, W1, b1)
    p2 = _sc_agg(h1, src, dst, zrows)
    pooled = _tc_pool(p2, W2 + W2, b2)
    return _tc_mlp(pooled, lin1_w, lin1_b, lin2_w, lin2_b)

# --- scband reference (transcript-rebuilt; emitter-appended) ---
"""Pipeline reference for scband-parent-homogeneous-gnn-39522289058401 (READ-ONLY COPY).

The authoritative reference and input builder live on the scoring server;
editing this copy changes nothing except your own understanding.
"""

import jax, jax.numpy as jnp
import numpy as np

N = 10000      # nodes
E = 320000     # edges
D = 128        # node_feature_dim == hidden_dim // 8 (hidden_dim=1024)
H1 = 128       # hidden_dim // 8 (lin1 in)
H2 = 64        # hidden_dim // 16 (lin1 out / lin2 in)
C = 2          # num_classes
G = 16         # graphs in batch


def setup_inputs(seed: int = 0) -> dict:
    key = jax.random.key(seed)
    ks = jax.random.split(key, 12)
    x = jax.random.normal(ks[0], (N, D), dtype=jnp.float32)
    edge_index = jax.random.randint(ks[1], (2, E), 0, N, dtype=jnp.int32)
    # 16 equal-size graphs; batch ids sorted, ptr gives CSR boundaries
    batch = jnp.repeat(jnp.arange(G, dtype=jnp.int32), N // G)
    # conv layers (child class assumed: 2 GCN-style convs at width hidden_dim//8)
    W1 = jax.random.normal(ks[2], (D, H1), dtype=jnp.float32) * (1.0 / np.sqrt(D))
    b1 = jnp.zeros((H1,), dtype=jnp.float32)
    W2 = jax.random.normal(ks[3], (H1, H1), dtype=jnp.float32) * (1.0 / np.sqrt(H1))
    b2 = jnp.zeros((H1,), dtype=jnp.float32)
    lin1_w = jax.random.normal(ks[4], (H1, H2), dtype=jnp.float32) * (1.0 / np.sqrt(H1))
    lin1_b = jnp.zeros((H2,), dtype=jnp.float32)
    lin2_w = jax.random.normal(ks[5], (H2, C), dtype=jnp.float32) * (1.0 / np.sqrt(H2))
    lin2_b = jnp.zeros((C,), dtype=jnp.float32)
    return {
        'x': x, 'edge_index': edge_index, 'batch': batch,
        'W1': W1, 'b1': b1, 'W2': W2, 'b2': b2,
        'lin1_w': lin1_w, 'lin1_b': lin1_b, 'lin2_w': lin2_w, 'lin2_b': lin2_b,
    }


def reference(x, edge_index, batch, W1, b1, W2, b2, lin1_w, lin1_b, lin2_w, lin2_b):
    # ParentHomogeneousGNN.forward, eval mode:
    #   USE_SIP=False, PERFORM_NODE_LEVEL_PREDICTION=False, SKIP_LARGER=False,
    #   edge_attr=False -> mp_args = [edge_index]
    src = edge_index[0]
    dst = edge_index[1]
    h = x
    prev = jnp.zeros_like(h)
    for (W, b) in ((W1, b1), (W2, b2)):
        h = h + prev  # residual accumulation, prev starts at 0
        # GCN-style conv: gather neighbor feats, scatter-add to dst, linear
        msgs = jnp.take(h, src, axis=0)                     # gather [E, D]
        agg = jax.ops.segment_sum(msgs, dst, num_segments=N)  # scatter-add [N, D]
        h = jax.nn.leaky_relu(agg @ W + b, negative_slope=0.2)
        prev = h
    # deterministic_global_mean_pool via data.ptr (segment_csr mean)
    counts = jax.ops.segment_sum(jnp.ones((N,), jnp.float32), batch, num_segments=G)
    pooled = jax.ops.segment_sum(h, batch, num_segments=G) / counts[:, None]
    # lin1 -> leaky_relu -> dropout(eval: identity) -> lin2
    g = jax.nn.leaky_relu(pooled @ lin1_w + lin1_b, negative_slope=0.2)
    graph_pred = g @ lin2_w + lin2_b
    return graph_pred

if __name__ == "__main__":
    import jax
    _d = setup_inputs()
    print(jax.jit(kernel)(*tuple(_d.values())))

</pallas_src>

<mosaic_0001>
#map = affine_map<(d0, d1) -> (0, 0)>
#map1 = affine_map<(d0, d1) -> (0)>
#map2 = affine_map<(d0, d1) -> (0, 0, 0)>
module attributes {stable_mosaic.version = 14 : i64} {
  func.func @_sc_agg_body(%arg0: i32, %arg1: i32, %arg2: memref<10240x128xf32, #tpu.memory_space<hbm>>, %arg3: memref<320000xi32, #tpu.memory_space<hbm>>, %arg4: memref<320000xi32, #tpu.memory_space<hbm>>, %arg5: memref<640x128xf32, #tpu.memory_space<hbm>>, %arg6: memref<2x10240x128xf32, #tpu.memory_space<hbm>>, %arg7: memref<10240x128xf32, #tpu.memory_space<vmem_shared>>, %arg8: memref<80xi32, #tpu.memory_space<vmem>>, %arg9: memref<80xi32, #tpu.memory_space<vmem>>, %arg10: memref<80xi32, #tpu.memory_space<vmem>>, %arg11: memref<80xi32, #tpu.memory_space<vmem>>, %arg12: memref<80xi32, #tpu.memory_space<vmem>>, %arg13: memref<80xi32, #tpu.memory_space<vmem>>, %arg14: memref<80xi32, #tpu.memory_space<vmem>>, %arg15: memref<80xi32, #tpu.memory_space<vmem>>, %arg16: memref<80x128xf32, #tpu.memory_space<vmem>>, %arg17: memref<80x128xf32, #tpu.memory_space<vmem>>, %arg18: memref<4x!tpu.dma_semaphore, #tpu.memory_space<semaphore_mem>>, %arg19: memref<2x!tpu.dma_semaphore, #tpu.memory_space<semaphore_mem>>) attributes {dimension_semantics = [#tpu.dimension_semantics<core_parallel>, #tpu.dimension_semantics<subcore_parallel>], iteration_bounds = array<i64: 2, 16>, scalar_prefetch = 0 : i64, scratch_operands = 13 : i64, tpu.core_type = #tpu.core_type<sc_vector_subcore>, window_params = [{transform_indices = #map}, {transform_indices = #map1}, {transform_indices = #map1}, {transform_indices = #map}, {transform_indices = #map2}]} {
    %mul3A = arith.constant 2 : i32
    %mul3A_0 = arith.muli %arg1, %mul3A : i32
    %add3A = arith.addi %mul3A_0, %arg0 : i32
    %mul3A_1 = arith.constant 125 : i32
    %mul3A_2 = arith.muli %add3A, %mul3A_1 : i32
    %mul3A_3 = arith.constant 80 : i32
    %mul3A_4 = arith.muli %mul3A_2, %mul3A_3 : i32
    %add3A_5 = arith.constant 0 : i32
    %add3A_6 = arith.addi %mul3A_4, %add3A_5 : i32
    %dma_start3A = arith.constant 0 : i32
    %dma_start3A_7 = tpu.memref_slice %arg3[%add3A_6] : memref<320000xi32, #tpu.memory_space<hbm>> -> memref<80xi32, #tpu.memory_space<hbm>>
    %dma_start3A_8 = tpu.memref_slice %arg18[%dma_start3A] : memref<4x!tpu.dma_semaphore, #tpu.memory_space<semaphore_mem>> -> memref<1x!tpu.dma_semaphore, #tpu.memory_space<semaphore_mem>>
    %dma_start3A_9 = tpu.memref_squeeze %dma_start3A_8 : memref<1x!tpu.dma_semaphore, #tpu.memory_space<semaphore_mem>> -> memref<!tpu.dma_semaphore, #tpu.memory_space<semaphore_mem>>
    %dma_start3A_10 = tpu.memref_slice %arg3[%add3A_6] : memref<320000xi32, #tpu.memory_space<hbm>> -> memref<80xi32, #tpu.memory_space<hbm>>
    tpu.enqueue_dma source(%dma_start3A_10 : memref<80xi32, #tpu.memory_space<hbm>>) target(%arg8 : memref<80xi32, #tpu.memory_space<vmem>>) target_semaphore(%dma_start3A_9 : memref<!tpu.dma_semaphore, #tpu.memory_space<semaphore_mem>>)
    %add3A_11 = arith.constant 0 : i32
    %add3A_12 = arith.addi %mul3A_4, %add3A_11 : i32
    %dma_start3A_13 = arith.constant 0 : i32
    %dma_start3A_14 = tpu.memref_slice %arg4[%add3A_12] : memref<320000xi32, #tpu.memory_space<hbm>> -> memref<80xi32, #tpu.memory_space<hbm>>
    %dma_start3A_15 = tpu.memref_slice %arg18[%dma_start3A_13] : memref<4x!tpu.dma_semaphore, #tpu.memory_space<semaphore_mem>> -> memref<1x!tpu.dma_semaphore, #tpu.memory_space<semaphore_mem>>
    %dma_start3A_16 = tpu.memref_squeeze %dma_start3A_15 : memref<1x!tpu.dma_semaphore, #tpu.memory_space<semaphore_mem>> -> memref<!tpu.dma_semaphore, #tpu.memory_space<semaphore_mem>>
    %dma_start3A_17 = tpu.memref_slice %arg4[%add3A_12] : memref<320000xi32, #tpu.memory_space<hbm>> -> memref<80xi32, #tpu.memory_space<hbm>>
    tpu.enqueue_dma source(%dma_start3A_17 : memref<80xi32, #tpu.memory_space<hbm>>) target(%arg12 : memref<80xi32, #tpu.memory_space<vmem>>) target_semaphore(%dma_start3A_16 : memref<!tpu.dma_semaphore, #tpu.memory_space<semaphore_mem>>)
    %add3A_18 = arith.constant 80 : i32
    %add3A_19 = arith.addi %mul3A_4, %add3A_18 : i32
    %dma_start3A_20 = arith.constant 1 : i32
    %dma_start3A_21 = tpu.memref_slice %arg3[%add3A_19] : memref<320000xi32, #tpu.memory_space<hbm>> -> memref<80xi32, #tpu.memory_space<hbm>>
    %dma_start3A_22 = tpu.memref_slice %arg18[%dma_start3A_20] : memref<4x!tpu.dma_semaphore, #tpu.memory_space<semaphore_mem>> -> memref<1x!tpu.dma_semaphore, #tpu.memory_space<semaphore_mem>>
    %dma_start3A_23 = tpu.memref_squeeze %dma_start3A_22 : memref<1x!tpu.dma_semaphore, #tpu.memory_space<semaphore_mem>> -> memref<!tpu.dma_semaphore, #tpu.memory_space<semaphore_mem>>
    %dma_start3A_24 = tpu.memref_slice %arg3[%add3A_19] : memref<320000xi32, #tpu.memory_space<hbm>> -> memref<80xi32, #tpu.memory_space<hbm>>
    tpu.enqueue_dma source(%dma_start3A_24 : memref<80xi32, #tpu.memory_space<hbm>>) target(%arg9 : memref<80xi32, #tpu.memory_space<vmem>>) target_semaphore(%dma_start3A_23 : memref<!tpu.dma_semaphore, #tpu.memory_space<semaphore_mem>>)
    %add3A_25 = arith.constant 80 : i32
    %add3A_26 = arith.addi %mul3A_4, %add3A_25 : i32
    %dma_start3A_27 = arith.constant 1 : i32
    %dma_start3A_28 = tpu.memref_slice %arg4[%add3A_26] : memref<320000xi32, #tpu.memory_space<hbm>> -> memref<80xi32, #tpu.memory_space<hbm>>
    %dma_start3A_29 = tpu.memref_slice %arg18[%dma_start3A_27] : memref<4x!tpu.dma_semaphore, #tpu.memory_space<semaphore_mem>> -> memref<1x!tpu.dma_semaphore, #tpu.memory_space<semaphore_mem>>
    %dma_start3A_30 = tpu.memref_squeeze %dma_start3A_29 : memref<1x!tpu.dma_semaphore, #tpu.memory_space<semaphore_mem>> -> memref<!tpu.dma_semaphore, #tpu.memory_space<semaphore_mem>>
    %dma_start3A_31 = tpu.memref_slice %arg4[%add3A_26] : memref<320000xi32, #tpu.memory_space<hbm>> -> memref<80xi32, #tpu.memory_space<hbm>>
    tpu.enqueue_dma source(%dma_start3A_31 : memref<80xi32, #tpu.memory_space<hbm>>) target(%arg13 : memref<80xi32, #tpu.memory_space<vmem>>) target_semaphore(%dma_start3A_30 : memref<!tpu.dma_semaphore, #tpu.memory_space<semaphore_mem>>)
    %add3A_32 = arith.constant 160 : i32
    %add3A_33 = arith.addi %mul3A_4, %add3A_32 : i32
    %dma_start3A_34 = arith.constant 2 : i32
    %dma_start3A_35 = tpu.memref_slice %arg3[%add3A_33] : memref<320000xi32, #tpu.memory_space<hbm>> -> memref<80xi32, #tpu.memory_space<hbm>>
    %dma_start3A_36 = tpu.memref_slice %arg18[%dma_start3A_34] : memref<4x!tpu.dma_semaphore, #tpu.memory_space<semaphore_mem>> -> memref<1x!tpu.dma_semaphore, #tpu.memory_space<semaphore_mem>>
    %dma_start3A_37 = tpu.memref_squeeze %dma_start3A_36 : memref<1x!tpu.dma_semaphore, #tpu.memory_space<semaphore_mem>> -> memref<!tpu.dma_semaphore, #tpu.memory_space<semaphore_mem>>
    %dma_start3A_38 = tpu.memref_slice %arg3[%add3A_33] : memref<320000xi32, #tpu.memory_space<hbm>> -> memref<80xi32, #tpu.memory_space<hbm>>
    tpu.enqueue_dma source(%dma_start3A_38 : memref<80xi32, #tpu.memory_space<hbm>>) target(%arg10 : memref<80xi32, #tpu.memory_space<vmem>>) target_semaphore(%dma_start3A_37 : memref<!tpu.dma_semaphore, #tpu.memory_space<semaphore_mem>>)
    %add3A_39 = arith.constant 160 : i32
    %add3A_40 = arith.addi %mul3A_4, %add3A_39 : i32
    %dma_start3A_41 = arith.constant 2 : i32
    %dma_start3A_42 = tpu.memref_slice %arg4[%add3A_40] : memref<320000xi32, #tpu.memory_space<hbm>> -> memref<80xi32, #tpu.memory_space<hbm>>
    %dma_start3A_43 = tpu.memref_slice %arg18[%dma_start3A_41] : memref<4x!tpu.dma_semaphore, #tpu.memory_space<semaphore_mem>> -> memref<1x!tpu.dma_semaphore, #tpu.memory_space<semaphore_mem>>
    %dma_start3A_44 = tpu.memref_squeeze %dma_start3A_43 : memref<1x!tpu.dma_semaphore, #tpu.memory_space<semaphore_mem>> -> memref<!tpu.dma_semaphore, #tpu.memory_space<semaphore_mem>>
    %dma_start3A_45 = tpu.memref_slice %arg4[%add3A_40] : memref<320000xi32, #tpu.memory_space<hbm>> -> memref<80xi32, #tpu.memory_space<hbm>>
    tpu.enqueue_dma source(%dma_start3A_45 : memref<80xi32, #tpu.memory_space<hbm>>) target(%arg14 : memref<80xi32, #tpu.memory_space<vmem>>) target_semaphore(%dma_start3A_44 : memref<!tpu.dma_semaphore, #tpu.memory_space<semaphore_mem>>)
    %add3A_46 = arith.constant 240 : i32
    %add3A_47 = arith.addi %mul3A_4, %add3A_46 : i32
    %dma_start3A_48 = arith.constant 3 : i32
    %dma_start3A_49 = tpu.memref_slice %arg3[%add3A_47] : memref<320000xi32, #tpu.memory_space<hbm>> -> memref<80xi32, #tpu.memory_space<hbm>>
    %dma_start3A_50 = tpu.memref_slice %arg18[%dma_start3A_48] : memref<4x!tpu.dma_semaphore, #tpu.memory_space<semaphore_mem>> -> memref<1x!tpu.dma_semaphore, #tpu.memory_space<semaphore_mem>>
    %dma_start3A_51 = tpu.memref_squeeze %dma_start3A_50 : memref<1x!tpu.dma_semaphore, #tpu.memory_space<semaphore_mem>> -> memref<!tpu.dma_semaphore, #tpu.memory_space<semaphore_mem>>
    %dma_start3A_52 = tpu.memref_slice %arg3[%add3A_47] : memref<320000xi32, #tpu.memory_space<hbm>> -> memref<80xi32, #tpu.memory_space<hbm>>
    tpu.enqueue_dma source(%dma_start3A_52 : memref<80xi32, #tpu.memory_space<hbm>>) target(%arg11 : memref<80xi32, #tpu.memory_space<vmem>>) target_semaphore(%dma_start3A_51 : memref<!tpu.dma_semaphore, #tpu.memory_space<semaphore_mem>>)
    %add3A_53 = arith.constant 240 : i32
    %add3A_54 = arith.addi %mul3A_4, %add3A_53 : i32
    %dma_start3A_55 = arith.constant 3 : i32
    %dma_start3A_56 = tpu.memref_slice %arg4[%add3A_54] : memref<320000xi32, #tpu.memory_space<hbm>> -> memref<80xi32, #tpu.memory_space<hbm>>
    %dma_start3A_57 = tpu.memref_slice %arg18[%dma_start3A_55] : memref<4x!tpu.dma_semaphore, #tpu.memory_space<semaphore_mem>> -> memref<1x!tpu.dma_semaphore, #tpu.memory_space<semaphore_mem>>
    %dma_start3A_58 = tpu.memref_squeeze %dma_start3A_57 : memref<1x!tpu.dma_semaphore, #tpu.memory_space<semaphore_mem>> -> memref<!tpu.dma_semaphore, #tpu.memory_space<semaphore_mem>>
    %dma_start3A_59 = tpu.memref_slice %arg4[%add3A_54] : memref<320000xi32, #tpu.memory_space<hbm>> -> memref<80xi32, #tpu.memory_space<hbm>>
    tpu.enqueue_dma source(%dma_start3A_59 : memref<80xi32, #tpu.memory_space<hbm>>) target(%arg15 : memref<80xi32, #tpu.memory_space<vmem>>) target_semaphore(%dma_start3A_58 : memref<!tpu.dma_semaphore, #tpu.memory_space<semaphore_mem>>)
    %mul3A_60 = arith.constant 640 : i32
    %mul3A_61 = arith.muli %arg1, %mul3A_60 : i32
    "tpu.region"() ({
      %run_scoped3A = tpu.sem_alloc : memref<!tpu.dma_semaphore, #tpu.memory_space<semaphore_mem>>
      %dma_start3A_120 = arith.constant 0 : i32
      %dma_start3A_121 = tpu.memref_slice %arg7[%mul3A_61, %dma_start3A_120] : memref<10240x128xf32, #tpu.memory_space<vmem_shared>> -> memref<640x128xf32, #tpu.memory_space<vmem_shared>>
      tpu.enqueue_dma source(%arg5 : memref<640x128xf32, #tpu.memory_space<hbm>>) target(%dma_start3A_121 : memref<640x128xf32, #tpu.memory_space<vmem_shared>>) target_semaphore(%run_scoped3A : memref<!tpu.dma_semaphore, #tpu.memory_space<semaphore_mem>>)
      %dma_wait3A_122 = arith.constant 0 : i32
      %dma_wait3A_123 = tpu.memref_slice %arg7[%mul3A_61, %dma_wait3A_122] : memref<10240x128xf32, #tpu.memory_space<vmem_shared>> -> memref<640x128xf32, #tpu.memory_space<vmem_shared>>
      tpu.wait_dma2 semaphore(%run_scoped3A : memref<!tpu.dma_semaphore, #tpu.memory_space<semaphore_mem>>) src(%arg5 : memref<640x128xf32, #tpu.memory_space<hbm>>) dst(%dma_wait3A_123 : memref<640x128xf32, #tpu.memory_space<vmem_shared>>)
      tpu.yield
    }) : () -> ()
    %add3A_62 = arith.constant 0 : i32
    %add3A_63 = arith.addi %mul3A_4, %add3A_62 : i32
    %dma_wait3A = arith.constant 0 : i32
    %dma_wait3A_64 = tpu.memref_slice %arg3[%add3A_63] : memref<320000xi32, #tpu.memory_space<hbm>> -> memref<80xi32, #tpu.memory_space<hbm>>
    %dma_wait3A_65 = tpu.memref_slice %arg18[%dma_wait3A] : memref<4x!tpu.dma_semaphore, #tpu.memory_space<semaphore_mem>> -> memref<1x!tpu.dma_semaphore, #tpu.memory_space<semaphore_mem>>
    %dma_wait3A_66 = tpu.memref_squeeze %dma_wait3A_65 : memref<1x!tpu.dma_semaphore, #tpu.memory_space<semaphore_mem>> -> memref<!tpu.dma_semaphore, #tpu.memory_space<semaphore_mem>>
    %dma_wait3A_67 = tpu.memref_slice %arg3[%add3A_63] : memref<320000xi32, #tpu.memory_space<hbm>> -> memref<80xi32, #tpu.memory_space<hbm>>
    tpu.wait_dma2 semaphore(%dma_wait3A_66 : memref<!tpu.dma_semaphore, #tpu.memory_space<semaphore_mem>>) src(%dma_wait3A_67 : memref<80xi32, #tpu.memory_space<hbm>>) dst(%arg8 : memref<80xi32, #tpu.memory_space<vmem>>)
    %add3A_68 = arith.constant 0 : i32
    %add3A_69 = arith.addi %mul3A_4, %add3A_68 : i32
    %dma_wait3A_70 = arith.constant 0 : i32
    %dma_wait3A_71 = tpu.memref_slice %arg4[%add3A_69] : memref<320000xi32, #tpu.memory_space<hbm>> -> memref<80xi32, #tpu.memory_space<hbm>>
    %dma_wait3A_72 = tpu.memref_slice %arg18[%dma_wait3A_70] : memref<4x!tpu.dma_semaphore, #tpu.memory_space<semaphore_mem>> -> memref<1x!tpu.dma_semaphore, #tpu.memory_space<semaphore_mem>>
    %dma_wait3A_73 = tpu.memref_squeeze %dma_wait3A_72 : memref<1x!tpu.dma_semaphore, #tpu.memory_space<semaphore_mem>> -> memref<!tpu.dma_semaphore, #tpu.memory_space<semaphore_mem>>
    %dma_wait3A_74 = tpu.memref_slice %arg4[%add3A_69] : memref<320000xi32, #tpu.memory_space<hbm>> -> memref<80xi32, #tpu.memory_space<hbm>>
    tpu.wait_dma2 semaphore(%dma_wait3A_73 : memref<!tpu.dma_semaphore, #tpu.memory_space<semaphore_mem>>) src(%dma_wait3A_74 : memref<80xi32, #tpu.memory_space<hbm>>) dst(%arg12 : memref<80xi32, #tpu.memory_space<vmem>>)
    %dma_start3A_75 = arith.constant 0 : i32
    %dma_start3A_76 = arith.constant 0 : i32
    %dma_start3A_77 = arith.constant 0 : i32
    %dma_start3A_78 = tpu.memref_slice %arg2[%dma_start3A_76, %dma_start3A_77] : memref<10240x128xf32, #tpu.memory_space<hbm>> -> memref<10240x128xf32, #tpu.memory_space<hbm>>
    %dma_start3A_79 = tpu.memref_slice %arg19[%dma_start3A_75] : memref<2x!tpu.dma_semaphore, #tpu.memory_space<semaphore_mem>> -> memref<1x!tpu.dma_semaphore, #tpu.memory_space<semaphore_mem>>
    %dma_start3A_80 = tpu.memref_squeeze %dma_start3A_79 : memref<1x!tpu.dma_semaphore, #tpu.memory_space<semaphore_mem>> -> memref<!tpu.dma_semaphore, #tpu.memory_space<semaphore_mem>>
    tpu.enqueue_indirect_dma source(%dma_start3A_78 : memref<10240x128xf32, #tpu.memory_space<hbm>>) target(%arg16 : memref<80x128xf32, #tpu.memory_space<vmem>>) offsets(%arg8 : memref<80xi32, #tpu.memory_space<vmem>>) semaphore(%dma_start3A_80 : memref<!tpu.dma_semaphore, #tpu.memory_space<semaphore_mem>>)
    %add3A_81 = arith.constant 80 : i32
    %add3A_82 = arith.addi %mul3A_4, %add3A_81 : i32
    %dma_wait3A_83 = arith.constant 1 : i32
    %dma_wait3A_84 = tpu.memref_slice %arg3[%add3A_82] : memref<320000xi32, #tpu.memory_space<hbm>> -> memref<80xi32, #tpu.memory_space<hbm>>
    %dma_wait3A_85 = tpu.memref_slice %arg18[%dma_wait3A_83] : memref<4x!tpu.dma_semaphore, #tpu.memory_space<semaphore_mem>> -> memref<1x!tpu.dma_semaphore, #tpu.memory_space<semaphore_mem>>
    %dma_wait3A_86 = tpu.memref_squeeze %dma_wait3A_85 : memref<1x!tpu.dma_semaphore, #tpu.memory_space<semaphore_mem>> -> memref<!tpu.dma_semaphore, #tpu.memory_space<semaphore_mem>>
    %dma_wait3A_87 = tpu.memref_slice %arg3[%add3A_82] : memref<320000xi32, #tpu.memory_space<hbm>> -> memref<80xi32, #tpu.memory_space<hbm>>
    tpu.wait_dma2 semaphore(%dma_wait3A_86 : memref<!tpu.dma_semaphore, #tpu.memory_space<semaphore_mem>>) src(%dma_wait3A_87 : memref<80xi32, #tpu.memory_space<hbm>>) dst(%arg9 : memref<80xi32, #tpu.memory_space<vmem>>)
    %add3A_88 = arith.constant 80 : i32
    %add3A_89 = arith.addi %mul3A_4, %add3A_88 : i32
    %dma_wait3A_90 = arith.constant 1 : i32
    %dma_wait3A_91 = tpu.memref_slice %arg4[%add3A_89] : memref<320000xi32, #tpu.memory_space<hbm>> -> memref<80xi32, #tpu.memory_space<hbm>>
    %dma_wait3A_92 = tpu.memref_slice %arg18[%dma_wait3A_90] : memref<4x!tpu.dma_semaphore, #tpu.memory_space<semaphore_mem>> -> memref<1x!tpu.dma_semaphore, #tpu.memory_space<semaphore_mem>>
    %dma_wait3A_93 = tpu.memref_squeeze %dma_wait3A_92 : memref<1x!tpu.dma_semaphore, #tpu.memory_space<semaphore_mem>> -> memref<!tpu.dma_semaphore, #tpu.memory_space<semaphore_mem>>
    %dma_wait3A_94 = tpu.memref_slice %arg4[%add3A_89] : memref<320000xi32, #tpu.memory_space<hbm>> -> memref<80xi32, #tpu.memory_space<hbm>>
    tpu.wait_dma2 semaphore(%dma_wait3A_93 : memref<!tpu.dma_semaphore, #tpu.memory_space<semaphore_mem>>) src(%dma_wait3A_94 : memref<80xi32, #tpu.memory_space<hbm>>) dst(%arg13 : memref<80xi32, #tpu.memory_space<vmem>>)
    %dma_start3A_95 = arith.constant 1 : i32
    %dma_start3A_96 = arith.constant 0 : i32
    %dma_start3A_97 = arith.constant 0 : i32
    %dma_start3A_98 = tpu.memref_slice %arg2[%dma_start3A_96, %dma_start3A_97] : memref<10240x128xf32, #tpu.memory_space<hbm>> -> memref<10240x128xf32, #tpu.memory_space<hbm>>
    %dma_start3A_99 = tpu.memref_slice %arg19[%dma_start3A_95] : memref<2x!tpu.dma_semaphore, #tpu.memory_space<semaphore_mem>> -> memref<1x!tpu.dma_semaphore, #tpu.memory_space<semaphore_mem>>
    %dma_start3A_100 = tpu.memref_squeeze %dma_start3A_99 : memref<1x!tpu.dma_semaphore, #tpu.memory_space<semaphore_mem>> -> memref<!tpu.dma_semaphore, #tpu.memory_space<semaphore_mem>>
    tpu.enqueue_indirect_dma source(%dma_start3A_98 : memref<10240x128xf32, #tpu.memory_space<hbm>>) target(%arg17 : memref<80x128xf32, #tpu.memory_space<vmem>>) offsets(%arg9 : memref<80xi32, #tpu.memory_space<vmem>>) semaphore(%dma_start3A_100 : memref<!tpu.dma_semaphore, #tpu.memory_space<semaphore_mem>>)
    %barrier3A = arith.constant 0 : index
    tpu.barrier barrier_id(%barrier3A)
    %scan3A = arith.constant 0 : i32
    %scan3A_101 = arith.constant 0 : i32
    %scan3A_102 = arith.constant 31 : i32
    %scan3A_103 = arith.addi %scan3A_101, %scan3A_102 : i32
    %scan3A_104 = arith.constant 1 : i32
    %scan3A_105 = scf.for %scan3A_120 = %scan3A_101 to %scan3A_103 step %scan3A_104 iter_args(%scan3A_121 = %scan3A) -> (i32)  : i32 {
      %mul3A_122 = arith.constant 4 : i32
      %mul3A_123 = arith.muli %mul3A_122, %scan3A_120 : i32
      %add3A_124 = arith.constant 0 : i32
      %add3A_125 = arith.addi %mul3A_123, %add3A_124 : i32
      %mul3A_126 = arith.constant 80 : i32
      %mul3A_127 = arith.muli %add3A_125, %mul3A_126 : i32
      %add3A_128 = arith.addi %mul3A_4, %mul3A_127 : i32
      %dma_wait3A_129 = arith.constant 0 : i32
      %dma_wait3A_130 = arith.constant 0 : i32
      %dma_wait3A_131 = arith.constant 0 : i32
      %dma_wait3A_132 = tpu.memref_slice %arg2[%dma_wait3A_130, %dma_wait3A_131] : memref<10240x128xf32, #tpu.memory_space<hbm>> -> memref<10240x128xf32, #tpu.memory_space<hbm>>
      %dma_wait3A_133 = tpu.memref_slice %arg19[%dma_wait3A_129] : memref<2x!tpu.dma_semaphore, #tpu.memory_space<semaphore_mem>> -> memref<1x!tpu.dma_semaphore, #tpu.memory_space<semaphore_mem>>
      %dma_wait3A_134 = tpu.memref_squeeze %dma_wait3A_133 : memref<1x!tpu.dma_semaphore, #tpu.memory_space<semaphore_mem>> -> memref<!tpu.dma_semaphore, #tpu.memory_space<semaphore_mem>>
      tpu.wait_indirect_dma semaphore(%dma_wait3A_134 : memref<!tpu.dma_semaphore, #tpu.memory_space<semaphore_mem>>) src(%dma_wait3A_132 : memref<10240x128xf32, #tpu.memory_space<hbm>>) dst(%arg16 : memref<80x128xf32, #tpu.memory_space<vmem>>)
      "tpu.region"() ({
        %run_scoped3A = tpu.sem_alloc : memref<!tpu.dma_semaphore, #tpu.memory_space<semaphore_mem>>
        %dma_start3A_228 = arith.constant 0 : i32
        %dma_start3A_229 = arith.constant 0 : i32
        %dma_start3A_230 = tpu.memref_slice %arg7[%dma_start3A_228, %dma_start3A_229] : memref<10240x128xf32, #tpu.memory_space<vmem_shared>> -> memref<10240x128xf32, #tpu.memory_space<vmem_shared>>
        tpu.enqueue_indirect_dma source(%arg16 : memref<80x128xf32, #tpu.memory_space<vmem>>) target(%dma_start3A_230 : memref<10240x128xf32, #tpu.memory_space<vmem_shared>>) offsets(%arg12 : memref<80xi32, #tpu.memory_space<vmem>>) semaphore(%run_scoped3A : memref<!tpu.dma_semaphore, #tpu.memory_space<semaphore_mem>>) {add = true}
        %dma_wait3A_231 = arith.constant 0 : i32
        %dma_wait3A_232 = arith.constant 0 : i32
        %dma_wait3A_233 = tpu.memref_slice %arg7[%dma_wait3A_231, %dma_wait3A_232] : memref<10240x128xf32, #tpu.memory_space<vmem_shared>> -> memref<10240x128xf32, #tpu.memory_space<vmem_shared>>
        tpu.wait_indirect_dma semaphore(%run_scoped3A : memref<!tpu.dma_semaphore, #tpu.memory_space<semaphore_mem>>) src(%arg16 : memref<80x128xf32, #tpu.memory_space<vmem>>) dst(%dma_wait3A_233 : memref<10240x128xf32, #tpu.memory_space<vmem_shared>>)
        tpu.yield
      }) : () -> ()
      %add3A_135 = arith.constant 4 : i32
      %add3A_136 = arith.addi %add3A_125, %add3A_135 : i32
      %lt3A = arith.constant 125 : i32
      %lt3A_137 = arith.cmpi slt, %add3A_136, %lt3A : i32
      %convert_element_type3A = arith.extui %lt3A_137 : i1 to i32
      %cond3A = arith.constant 0 : i32
      %cond3A_138 = arith.cmpi ne, %convert_element_type3A, %cond3A : i32
      scf.if %cond3A_138 {
        %add3A_228 = arith.constant 320 : i32
        %add3A_229 = arith.addi %add3A_128, %add3A_228 : i32
        %dma_start3A_230 = arith.constant 0 : i32
        %dma_start3A_231 = tpu.memref_slice %arg3[%add3A_229] : memref<320000xi32, #tpu.memory_space<hbm>> -> memref<80xi32, #tpu.memory_space<hbm>>
        %dma_start3A_232 = tpu.memref_slice %arg18[%dma_start3A_230] : memref<4x!tpu.dma_semaphore, #tpu.memory_space<semaphore_mem>> -> memref<1x!tpu.dma_semaphore, #tpu.memory_space<semaphore_mem>>
        %dma_start3A_233 = tpu.memref_squeeze %dma_start3A_232 : memref<1x!tpu.dma_semaphore, #tpu.memory_space<semaphore_mem>> -> memref<!tpu.dma_semaphore, #tpu.memory_space<semaphore_mem>>
        %dma_start3A_234 = tpu.memref_slice %arg3[%add3A_229] : memref<320000xi32, #tpu.memory_space<hbm>> -> memref<80xi32, #tpu.memory_space<hbm>>
        tpu.enqueue_dma source(%dma_start3A_234 : memref<80xi32, #tpu.memory_space<hbm>>) target(%arg8 : memref<80xi32, #tpu.memory_space<vmem>>) target_semaphore(%dma_start3A_233 : memref<!tpu.dma_semaphore, #tpu.memory_space<semaphore_mem>>)
        %add3A_235 = arith.constant 320 : i32
        %add3A_236 = arith.addi %add3A_128, %add3A_235 : i32
        %dma_start3A_237 = arith.constant 0 : i32
        %dma_start3A_238 = tpu.memref_slice %arg4[%add3A_236] : memref<320000xi32, #tpu.memory_space<hbm>> -> memref<80xi32, #tpu.memory_space<hbm>>
        %dma_start3A_239 = tpu.memref_slice %arg18[%dma_start3A_237] : memref<4x!tpu.dma_semaphore, #tpu.memory_space<semaphore_mem>> -> memref<1x!tpu.dma_semaphore, #tpu.memory_space<semaphore_mem>>
        %dma_start3A_240 = tpu.memref_squeeze %dma_start3A_239 : memref<1x!tpu.dma_semaphore, #tpu.memory_space<semaphore_mem>> -> memref<!tpu.dma_semaphore, #tpu.memory_space<semaphore_mem>>
        %dma_start3A_241 = tpu.memref_slice %arg4[%add3A_236] : memref<320000xi32, #tpu.memory_space<hbm>> -> memref<80xi32, #tpu.memory_space<hbm>>
        tpu.enqueue_dma source(%dma_start3A_241 : memref<80xi32, #tpu.memory_space<hbm>>) target(%arg12 : memref<80xi32, #tpu.memory_space<vmem>>) target_semaphore(%dma_start3A_240 : memref<!tpu.dma_semaphore, #tpu.memory_space<semaphore_mem>>)
      } else {
      }
      %add3A_139 = arith.constant 2 : i32
      %add3A_140 = arith.addi %add3A_125, %add3A_139 : i32
      %lt3A_141 = arith.constant 125 : i32
      %lt3A_142 = arith.cmpi slt, %add3A_140, %lt3A_141 : i32
      %convert_element_type3A_143 = arith.extui %lt3A_142 : i1 to i32
      %cond3A_144 = arith.constant 0 : i32
      %cond3A_145 = arith.cmpi ne, %convert_element_type3A_143, %cond3A_144 : i32
      scf.if %cond3A_145 {
        %add3A_228 = arith.constant 160 : i32
        %add3A_229 = arith.addi %add3A_128, %add3A_228 : i32
        %dma_wait3A_230 = arith.constant 2 : i32
        %dma_wait3A_231 = tpu.memref_slice %arg3[%add3A_229] : memref<320000xi32, #tpu.memory_space<hbm>> -> memref<80xi32, #tpu.memory_space<hbm>>
        %dma_wait3A_232 = tpu.memref_slice %arg18[%dma_wait3A_230] : memref<4x!tpu.dma_semaphore, #tpu.memory_space<semaphore_mem>> -> memref<1x!tpu.dma_semaphore, #tpu.memory_space<semaphore_mem>>
        %dma_wait3A_233 = tpu.memref_squeeze %dma_wait3A_232 : memref<1x!tpu.dma_semaphore, #tpu.memory_space<semaphore_mem>> -> memref<!tpu.dma_semaphore, #tpu.memory_space<semaphore_mem>>
        %dma_wait3A_234 = tpu.memref_slice %arg3[%add3A_229] : memref<320000xi32, #tpu.memory_space<hbm>> -> memref<80xi32, #tpu.memory_space<hbm>>
        tpu.wait_dma2 semaphore(%dma_wait3A_233 : memref<!tpu.dma_semaphore, #tpu.memory_space<semaphore_mem>>) src(%dma_wait3A_234 : memref<80xi32, #tpu.memory_space<hbm>>) dst(%arg10 : memref<80xi32, #tpu.memory_space<vmem>>)
        %add3A_235 = arith.constant 160 : i32
        %add3A_236 = arith.addi %add3A_128, %add3A_235 : i32
        %dma_wait3A_237 = arith.constant 2 : i32
        %dma_wait3A_238 = tpu.memref_slice %arg4[%add3A_236] : memref<320000xi32, #tpu.memory_space<hbm>> -> memref<80xi32, #tpu.memory_space<hbm>>
        %dma_wait3A_239 = tpu.memref_slice %arg18[%dma_wait3A_237] : memref<4x!tpu.dma_semaphore, #tpu.memory_space<semaphore_mem>> -> memref<1x!tpu.dma_semaphore, #tpu.memory_space<semaphore_mem>>
        %dma_wait3A_240 = tpu.memref_squeeze %dma_wait3A_239 : memref<1x!tpu.dma_semaphore, #tpu.memory_space<semaphore_mem>> -> memref<!tpu.dma_semaphore, #tpu.memory_space<semaphore_mem>>
        %dma_wait3A_241 = tpu.memref_slice %arg4[%add3A_236] : memref<320000xi32, #tpu.memory_space<hbm>> -> memref<80xi32, #tpu.memory_space<hbm>>
        tpu.wait_dma2 semaphore(%dma_wait3A_240 : memref<!tpu.dma_semaphore, #tpu.memory_space<semaphore_mem>>) src(%dma_wait3A_241 : memref<80xi32, #tpu.memory_space<hbm>>) dst(%arg14 : memref<80xi32, #tpu.memory_space<vmem>>)
        %dma_start3A_242 = arith.constant 0 : i32
        %dma_start3A_243 = arith.constant 0 : i32
        %dma_start3A_244 = arith.constant 0 : i32
        %dma_start3A_245 = tpu.memref_slice %arg2[%dma_start3A_243, %dma_start3A_244] : memref<10240x128xf32, #tpu.memory_space<hbm>> -> memref<10240x128xf32, #tpu.memory_space<hbm>>
        %dma_start3A_246 = tpu.memref_slice %arg19[%dma_start3A_242] : memref<2x!tpu.dma_semaphore, #tpu.memory_space<semaphore_mem>> -> memref<1x!tpu.dma_semaphore, #tpu.memory_space<semaphore_mem>>
        %dma_start3A_247 = tpu.memref_squeeze %dma_start3A_246 : memref<1x!tpu.dma_semaphore, #tpu.memory_space<semaphore_mem>> -> memref<!tpu.dma_semaphore, #tpu.memory_space<semaphore_mem>>
        tpu.enqueue_indirect_dma source(%dma_start3A_245 : memref<10240x128xf32, #tpu.memory_space<hbm>>) target(%arg16 : memref<80x128xf32, #tpu.memory_space<vmem>>) offsets(%arg10 : memref<80xi32, #tpu.memory_space<vmem>>) semaphore(%dma_start3A_247 : memref<!tpu.dma_semaphore, #tpu.memory_space<semaphore_mem>>)
      } else {
      }
      %mul3A_146 = arith.constant 4 : i32
      %mul3A_147 = arith.muli %mul3A_146, %scan3A_120 : i32
      %add3A_148 = arith.constant 1 : i32
      %add3A_149 = arith.addi %mul3A_147, %add3A_148 : i32
      %mul3A_150 = arith.constant 80 : i32
      %mul3A_151 = arith.muli %add3A_149, %mul3A_150 : i32
      %add3A_152 = arith.addi %mul3A_4, %mul3A_151 : i32
      %dma_wait3A_153 = arith.constant 1 : i32
      %dma_wait3A_154 = arith.constant 0 : i32
      %dma_wait3A_155 = arith.constant 0 : i32
      %dma_wait3A_156 = tpu.memref_slice %arg2[%dma_wait3A_154, %dma_wait3A_155] : memref<10240x128xf32, #tpu.memory_space<hbm>> -> memref<10240x128xf32, #tpu.memory_space<hbm>>
      %dma_wait3A_157 = tpu.memref_slice %arg19[%dma_wait3A_153] : memref<2x!tpu.dma_semaphore, #tpu.memory_space<semaphore_mem>> -> memref<1x!tpu.dma_semaphore, #tpu.memory_space<semaphore_mem>>
      %dma_wait3A_158 = tpu.memref_squeeze %dma_wait3A_157 : memref<1x!tpu.dma_semaphore, #tpu.memory_space<semaphore_mem>> -> memref<!tpu.dma_semaphore, #tpu.memory_space<semaphore_mem>>
      tpu.wait_indirect_dma semaphore(%dma_wait3A_158 : memref<!tpu.dma_semaphore, #tpu.memory_space<semaphore_mem>>) src(%dma_wait3A_156 : memref<10240x128xf32, #tpu.memory_space<hbm>>) dst(%arg17 : memref<80x128xf32, #tpu.memory_space<vmem>>)
      "tpu.region"() ({
        %run_scoped3A = tpu.sem_alloc : memref<!tpu.dma_semaphore, #tpu.memory_space<semaphore_mem>>
        %dma_start3A_228 = arith.constant 0 : i32
        %dma_start3A_229 = arith.constant 0 : i32
        %dma_start3A_230 = tpu.memref_slice %arg7[%dma_start3A_228, %dma_start3A_229] : memref<10240x128xf32, #tpu.memory_space<vmem_shared>> -> memref<10240x128xf32, #tpu.memory_space<vmem_shared>>
        tpu.enqueue_indirect_dma source(%arg17 : memref<80x128xf32, #tpu.memory_space<vmem>>) target(%dma_start3A_230 : memref<10240x128xf32, #tpu.memory_space<vmem_shared>>) offsets(%arg13 : memref<80xi32, #tpu.memory_space<vmem>>) semaphore(%run_scoped3A : memref<!tpu.dma_semaphore, #tpu.memory_space<semaphore_mem>>) {add = true}
        %dma_wait3A_231 = arith.constant 0 : i32
        %dma_wait3A_232 = arith.constant 0 : i32
        %dma_wait3A_233 = tpu.memref_slice %arg7[%dma_wait3A_231, %dma_wait3A_232] : memref<10240x128xf32, #tpu.memory_space<vmem_shared>> -> memref<10240x128xf32, #tpu.memory_space<vmem_shared>>
        tpu.wait_indirect_dma semaphore(%run_scoped3A : memref<!tpu.dma_semaphore, #tpu.memory_space<semaphore_mem>>) src(%arg17 : memref<80x128xf32, #tpu.memory_space<vmem>>) dst(%dma_wait3A_233 : memref<10240x128xf32, #tpu.memory_space<vmem_shared>>)
        tpu.yield
      }) : () -> ()
      %add3A_159 = arith.constant 4 : i32
      %add3A_160 = arith.addi %add3A_149, %add3A_159 : i32
      %lt3A_161 = arith.constant 125 : i32
      %lt3A_162 = arith.cmpi slt, %add3A_160, %lt3A_161 : i32
      %convert_element_type3A_163 = arith.extui %lt3A_162 : i1 to i32
      %cond3A_164 = arith.constant 0 : i32
      %cond3A_165 = arith.cmpi ne, %convert_element_type3A_163, %cond3A_164 : i32
      scf.if %cond3A_165 {
        %add3A_228 = arith.constant 320 : i32
        %add3A_229 = arith.addi %add3A_152, %add3A_228 : i32
        %dma_start3A_230 = arith.constant 1 : i32
        %dma_start3A_231 = tpu.memref_slice %arg3[%add3A_229] : memref<320000xi32, #tpu.memory_space<hbm>> -> memref<80xi32, #tpu.memory_space<hbm>>
        %dma_start3A_232 = tpu.memref_slice %arg18[%dma_start3A_230] : memref<4x!tpu.dma_semaphore, #tpu.memory_space<semaphore_mem>> -> memref<1x!tpu.dma_semaphore, #tpu.memory_space<semaphore_mem>>
        %dma_start3A_233 = tpu.memref_squeeze %dma_start3A_232 : memref<1x!tpu.dma_semaphore, #tpu.memory_space<semaphore_mem>> -> memref<!tpu.dma_semaphore, #tpu.memory_space<semaphore_mem>>
        %dma_start3A_234 = tpu.memref_slice %arg3[%add3A_229] : memref<320000xi32, #tpu.memory_space<hbm>> -> memref<80xi32, #tpu.memory_space<hbm>>
        tpu.enqueue_dma source(%dma_start3A_234 : memref<80xi32, #tpu.memory_space<hbm>>) target(%arg9 : memref<80xi32, #tpu.memory_space<vmem>>) target_semaphore(%dma_start3A_233 : memref<!tpu.dma_semaphore, #tpu.memory_space<semaphore_mem>>)
        %add3A_235 = arith.constant 320 : i32
        %add3A_236 = arith.addi %add3A_152, %add3A_235 : i32
        %dma_start3A_237 = arith.constant 1 : i32
        %dma_start3A_238 = tpu.memref_slice %arg4[%add3A_236] : memref<320000xi32, #tpu.memory_space<hbm>> -> memref<80xi32, #tpu.memory_space<hbm>>
        %dma_start3A_239 = tpu.memref_slice %arg18[%dma_start3A_237] : memref<4x!tpu.dma_semaphore, #tpu.memory_space<semaphore_mem>> -> memref<1x!tpu.dma_semaphore, #tpu.memory_space<semaphore_mem>>
        %dma_start3A_240 = tpu.memref_squeeze %dma_start3A_239 : memref<1x!tpu.dma_semaphore, #tpu.memory_space<semaphore_mem>> -> memref<!tpu.dma_semaphore, #tpu.memory_space<semaphore_mem>>
        %dma_start3A_241 = tpu.memref_slice %arg4[%add3A_236] : memref<320000xi32, #tpu.memory_space<hbm>> -> memref<80xi32, #tpu.memory_space<hbm>>
        tpu.enqueue_dma source(%dma_start3A_241 : memref<80xi32, #tpu.memory_space<hbm>>) target(%arg13 : memref<80xi32, #tpu.memory_space<vmem>>) target_semaphore(%dma_start3A_240 : memref<!tpu.dma_semaphore, #tpu.memory_space<semaphore_mem>>)
      } else {
      }
      %add3A_166 = arith.constant 2 : i32
      %add3A_167 = arith.addi %add3A_149, %add3A_166 : i32
      %lt3A_168 = arith.constant 125 : i32
      %lt3A_169 = arith.cmpi slt, %add3A_167, %lt3A_168 : i32
      %convert_element_type3A_170 = arith.extui %lt3A_169 : i1 to i32
      %cond3A_171 = arith.constant 0 : i32
      %cond3A_172 = arith.cmpi ne, %convert_element_type3A_170, %cond3A_171 : i32
      scf.if %cond3A_172 {
        %add3A_228 = arith.constant 160 : i32
        %add3A_229 = arith.addi %add3A_152, %add3A_228 : i32
        %dma_wait3A_230 = arith.constant 3 : i32
        %dma_wait3A_231 = tpu.memref_slice %arg3[%add3A_229] : memref<320000xi32, #tpu.memory_space<hbm>> -> memref<80xi32, #tpu.memory_space<hbm>>
        %dma_wait3A_232 = tpu.memref_slice %arg18[%dma_wait3A_230] : memref<4x!tpu.dma_semaphore, #tpu.memory_space<semaphore_mem>> -> memref<1x!tpu.dma_semaphore, #tpu.memory_space<semaphore_mem>>
        %dma_wait3A_233 = tpu.memref_squeeze %dma_wait3A_232 : memref<1x!tpu.dma_semaphore, #tpu.memory_space<semaphore_mem>> -> memref<!tpu.dma_semaphore, #tpu.memory_space<semaphore_mem>>
        %dma_wait3A_234 = tpu.memref_slice %arg3[%add3A_229] : memref<320000xi32, #tpu.memory_space<hbm>> -> memref<80xi32, #tpu.memory_space<hbm>>
        tpu.wait_dma2 semaphore(%dma_wait3A_233 : memref<!tpu.dma_semaphore, #tpu.memory_space<semaphore_mem>>) src(%dma_wait3A_234 : memref<80xi32, #tpu.memory_space<hbm>>) dst(%arg11 : memref<80xi32, #tpu.memory_space<vmem>>)
        %add3A_235 = arith.constant 160 : i32
        %add3A_236 = arith.addi %add3A_152, %add3A_235 : i32
        %dma_wait3A_237 = arith.constant 3 : i32
        %dma_wait3A_238 = tpu.memref_slice %arg4[%add3A_236] : memref<320000xi32, #tpu.memory_space<hbm>> -> memref<80xi32, #tpu.memory_space<hbm>>
        %dma_wait3A_239 = tpu.memref_slice %arg18[%dma_wait3A_237] : memref<4x!tpu.dma_semaphore, #tpu.memory_space<semaphore_mem>> -> memref<1x!tpu.dma_semaphore, #tpu.memory_space<semaphore_mem>>
        %dma_wait3A_240 = tpu.memref_squeeze %dma_wait3A_239 : memref<1x!tpu.dma_semaphore, #tpu.memory_space<semaphore_mem>> -> memref<!tpu.dma_semaphore, #tpu.memory_space<semaphore_mem>>
        %dma_wait3A_241 = tpu.memref_slice %arg4[%add3A_236] : memref<320000xi32, #tpu.memory_space<hbm>> -> memref<80xi32, #tpu.memory_space<hbm>>
        tpu.wait_dma2 semaphore(%dma_wait3A_240 : memref<!tpu.dma_semaphore, #tpu.memory_space<semaphore_mem>>) src(%dma_wait3A_241 : memref<80xi32, #tpu.memory_space<hbm>>) dst(%arg15 : memref<80xi32, #tpu.memory_space<vmem>>)
        %dma_start3A_242 = arith.constant 1 : i32
        %dma_start3A_243 = arith.constant 0 : i32
        %dma_start3A_244 = arith.constant 0 : i32
        %dma_start3A_245 = tpu.memref_slice %arg2[%dma_start3A_243, %dma_start3A_244] : memref<10240x128xf32, #tpu.memory_space<hbm>> -> memref<10240x128xf32, #tpu.memory_space<hbm>>
        %dma_start3A_246 = tpu.memref_slice %arg19[%dma_start3A_242] : memref<2x!tpu.dma_semaphore, #tpu.memory_space<semaphore_mem>> -> memref<1x!tpu.dma_semaphore, #tpu.memory_space<semaphore_mem>>
        %dma_start3A_247 = tpu.memref_squeeze %dma_start3A_246 : memref<1x!tpu.dma_semaphore, #tpu.memory_space<semaphore_mem>> -> memref<!tpu.dma_semaphore, #tpu.memory_space<semaphore_mem>>
        tpu.enqueue_indirect_dma source(%dma_start3A_245 : memref<10240x128xf32, #tpu.memory_space<hbm>>) target(%arg17 : memref<80x128xf32, #tpu.memory_space<vmem>>) offsets(%arg11 : memref<80xi32, #tpu.memory_space<vmem>>) semaphore(%dma_start3A_247 : memref<!tpu.dma_semaphore, #tpu.memory_space<semaphore_mem>>)
      } else {
      }
      %mul3A_173 = arith.constant 4 : i32
      %mul3A_174 = arith.muli %mul3A_173, %scan3A_120 : i32
      %add3A_175 = arith.constant 2 : i32
      %add3A_176 = arith.addi %mul3A_174, %add3A_175 : i32
      %mul3A_177 = arith.constant 80 : i32
      %mul3A_178 = arith.muli %add3A_176, %mul3A_177 : i32
      %add3A_179 = arith.addi %mul3A_4, %mul3A_178 : i32
      %dma_wait3A_180 = arith.constant 0 : i32
      %dma_wait3A_181 = arith.constant 0 : i32
      %dma_wait3A_182 = arith.constant 0 : i32
      %dma_wait3A_183 = tpu.memref_slice %arg2[%dma_wait3A_181, %dma_wait3A_182] : memref<10240x128xf32, #tpu.memory_space<hbm>> -> memref<10240x128xf32, #tpu.memory_space<hbm>>
      %dma_wait3A_184 = tpu.memref_slice %arg19[%dma_wait3A_180] : memref<2x!tpu.dma_semaphore, #tpu.memory_space<semaphore_mem>> -> memref<1x!tpu.dma_semaphore, #tpu.memory_space<semaphore_mem>>
      %dma_wait3A_185 = tpu.memref_squeeze %dma_wait3A_184 : memref<1x!tpu.dma_semaphore, #tpu.memory_space<semaphore_mem>> -> memref<!tpu.dma_semaphore, #tpu.memory_space<semaphore_mem>>
      tpu.wait_indirect_dma semaphore(%dma_wait3A_185 : memref<!tpu.dma_semaphore, #tpu.memory_space<semaphore_mem>>) src(%dma_wait3A_183 : memref<10240x128xf32, #tpu.memory_space<hbm>>) dst(%arg16 : memref<80x128xf32, #tpu.memory_space<vmem>>)
      "tpu.region"() ({
        %run_scoped3A = tpu.sem_alloc : memref<!tpu.dma_semaphore, #tpu.memory_space<semaphore_mem>>
        %dma_start3A_228 = arith.constant 0 : i32
        %dma_start3A_229 = arith.constant 0 : i32
        %dma_start3A_230 = tpu.memref_slice %arg7[%dma_start3A_228, %dma_start3A_229] : memref<10240x128xf32, #tpu.memory_space<vmem_shared>> -> memref<10240x128xf32, #tpu.memory_space<vmem_shared>>
        tpu.enqueue_indirect_dma source(%arg16 : memref<80x128xf32, #tpu.memory_space<vmem>>) target(%dma_start3A_230 : memref<10240x128xf32, #tpu.memory_space<vmem_shared>>) offsets(%arg14 : memref<80xi32, #tpu.memory_space<vmem>>) semaphore(%run_scoped3A : memref<!tpu.dma_semaphore, #tpu.memory_space<semaphore_mem>>) {add = true}
        %dma_wait3A_231 = arith.constant 0 : i32
        %dma_wait3A_232 = arith.constant 0 : i32
        %dma_wait3A_233 = tpu.memref_slice %arg7[%dma_wait3A_231, %dma_wait3A_232] : memref<10240x128xf32, #tpu.memory_space<vmem_shared>> -> memref<10240x128xf32, #tpu.memory_space<vmem_shared>>
        tpu.wait_indirect_dma semaphore(%run_scoped3A : memref<!tpu.dma_semaphore, #tpu.memory_space<semaphore_mem>>) src(%arg16 : memref<80x128xf32, #tpu.memory_space<vmem>>) dst(%dma_wait3A_233 : memref<10240x128xf32, #tpu.memory_space<vmem_shared>>)
        tpu.yield
      }) : () -> ()
      %add3A_186 = arith.constant 4 : i32
      %add3A_187 = arith.addi %add3A_176, %add3A_186 : i32
      %lt3A_188 = arith.constant 125 : i32
      %lt3A_189 = arith.cmpi slt, %add3A_187, %lt3A_188 : i32
      %convert_element_type3A_190 = arith.extui %lt3A_189 : i1 to i32
      %cond3A_191 = arith.constant 0 : i32
      %cond3A_192 = arith.cmpi ne, %convert_element_type3A_190, %cond3A_191 : i32
      scf.if %cond3A_192 {
        %add3A_228 = arith.constant 320 : i32
        %add3A_229 = arith.addi %add3A_179, %add3A_228 : i32
        %dma_start3A_230 = arith.constant 2 : i32
        %dma_start3A_231 = tpu.memref_slice %arg3[%add3A_229] : memref<320000xi32, #tpu.memory_space<hbm>> -> memref<80xi32, #tpu.memory_space<hbm>>
        %dma_start3A_232 = tpu.memref_slice %arg18[%dma_start3A_230] : memref<4x!tpu.dma_semaphore, #tpu.memory_space<semaphore_mem>> -> memref<1x!tpu.dma_semaphore, #tpu.memory_space<semaphore_mem>>
        %dma_start3A_233 = tpu.memref_squeeze %dma_start3A_232 : memref<1x!tpu.dma_semaphore, #tpu.memory_space<semaphore_mem>> -> memref<!tpu.dma_semaphore, #tpu.memory_space<semaphore_mem>>
        %dma_start3A_234 = tpu.memref_slice %arg3[%add3A_229] : memref<320000xi32, #tpu.memory_space<hbm>> -> memref<80xi32, #tpu.memory_space<hbm>>
        tpu.enqueue_dma source(%dma_start3A_234 : memref<80xi32, #tpu.memory_space<hbm>>) target(%arg10 : memref<80xi32, #tpu.memory_space<vmem>>) target_semaphore(%dma_start3A_233 : memref<!tpu.dma_semaphore, #tpu.memory_space<semaphore_mem>>)
        %add3A_235 = arith.constant 320 : i32
        %add3A_236 = arith.addi %add3A_179, %add3A_235 : i32
        %dma_start3A_237 = arith.constant 2 : i32
        %dma_start3A_238 = tpu.memref_slice %arg4[%add3A_236] : memref<320000xi32, #tpu.memory_space<hbm>> -> memref<80xi32, #tpu.memory_space<hbm>>
        %dma_start3A_239 = tpu.memref_slice %arg18[%dma_start3A_237] : memref<4x!tpu.dma_semaphore, #tpu.memory_space<semaphore_mem>> -> memref<1x!tpu.dma_semaphore, #tpu.memory_space<semaphore_mem>>
        %dma_start3A_240 = tpu.memref_squeeze %dma_start3A_239 : memref<1x!tpu.dma_semaphore, #tpu.memory_space<semaphore_mem>> -> memref<!tpu.dma_semaphore, #tpu.memory_space<semaphore_mem>>
        %dma_start3A_241 = tpu.memref_slice %arg4[%add3A_236] : memref<320000xi32, #tpu.memory_space<hbm>> -> memref<80xi32, #tpu.memory_space<hbm>>
        tpu.enqueue_dma source(%dma_start3A_241 : memref<80xi32, #tpu.memory_space<hbm>>) target(%arg14 : memref<80xi32, #tpu.memory_space<vmem>>) target_semaphore(%dma_start3A_240 : memref<!tpu.dma_semaphore, #tpu.memory_space<semaphore_mem>>)
      } else {
      }
      %add3A_193 = arith.constant 2 : i32
      %add3A_194 = arith.addi %add3A_176, %add3A_193 : i32
      %lt3A_195 = arith.constant 125 : i32
      %lt3A_196 = arith.cmpi slt, %add3A_194, %lt3A_195 : i32
      %convert_element_type3A_197 = arith.extui %lt3A_196 : i1 to i32
      %cond3A_198 = arith.constant 0 : i32
      %cond3A_199 = arith.cmpi ne, %convert_element_type3A_197, %cond3A_198 : i32
      scf.if %cond3A_199 {
        %add3A_228 = arith.constant 160 : i32
        %add3A_229 = arith.addi %add3A_179, %add3A_228 : i32
        %dma_wait3A_230 = arith.constant 0 : i32
        %dma_wait3A_231 = tpu.memref_slice %arg3[%add3A_229] : memref<320000xi32, #tpu.memory_space<hbm>> -> memref<80xi32, #tpu.memory_space<hbm>>
        %dma_wait3A_232 = tpu.memref_slice %arg18[%dma_wait3A_230] : memref<4x!tpu.dma_semaphore, #tpu.memory_space<semaphore_mem>> -> memref<1x!tpu.dma_semaphore, #tpu.memory_space<semaphore_mem>>
        %dma_wait3A_233 = tpu.memref_squeeze %dma_wait3A_232 : memref<1x!tpu.dma_semaphore, #tpu.memory_space<semaphore_mem>> -> memref<!tpu.dma_semaphore, #tpu.memory_space<semaphore_mem>>
        %dma_wait3A_234 = tpu.memref_slice %arg3[%add3A_229] : memref<320000xi32, #tpu.memory_space<hbm>> -> memref<80xi32, #tpu.memory_space<hbm>>
        tpu.wait_dma2 semaphore(%dma_wait3A_233 : memref<!tpu.dma_semaphore, #tpu.memory_space<semaphore_mem>>) src(%dma_wait3A_234 : memref<80xi32, #tpu.memory_space<hbm>>) dst(%arg8 : memref<80xi32, #tpu.memory_space<vmem>>)
        %add3A_235 = arith.constant 160 : i32
        %add3A_236 = arith.addi %add3A_179, %add3A_235 : i32
        %dma_wait3A_237 = arith.constant 0 : i32
        %dma_wait3A_238 = tpu.memref_slice %arg4[%add3A_236] : memref<320000xi32, #tpu.memory_space<hbm>> -> memref<80xi32, #tpu.memory_space<hbm>>
        %dma_wait3A_239 = tpu.memref_slice %arg18[%dma_wait3A_237] : memref<4x!tpu.dma_semaphore, #tpu.memory_space<semaphore_mem>> -> memref<1x!tpu.dma_semaphore, #tpu.memory_space<semaphore_mem>>
        %dma_wait3A_240 = tpu.memref_squeeze %dma_wait3A_239 : memref<1x!tpu.dma_semaphore, #tpu.memory_space<semaphore_mem>> -> memref<!tpu.dma_semaphore, #tpu.memory_space<semaphore_mem>>
        %dma_wait3A_241 = tpu.memref_slice %arg4[%add3A_236] : memref<320000xi32, #tpu.memory_space<hbm>> -> memref<80xi32, #tpu.memory_space<hbm>>
        tpu.wait_dma2 semaphore(%dma_wait3A_240 : memref<!tpu.dma_semaphore, #tpu.memory_space<semaphore_mem>>) src(%dma_wait3A_241 : memref<80xi32, #tpu.memory_space<hbm>>) dst(%arg12 : memref<80xi32, #tpu.memory_space<vmem>>)
        %dma_start3A_242 = arith.constant 0 : i32
        %dma_start3A_243 = arith.constant 0 : i32
        %dma_start3A_244 = arith.constant 0 : i32
        %dma_start3A_245 = tpu.memref_slice %arg2[%dma_start3A_243, %dma_start3A_244] : memref<10240x128xf32, #tpu.memory_space<hbm>> -> memref<10240x128xf32, #tpu.memory_space<hbm>>
        %dma_start3A_246 = tpu.memref_slice %arg19[%dma_start3A_242] : memref<2x!tpu.dma_semaphore, #tpu.memory_space<semaphore_mem>> -> memref<1x!tpu.dma_semaphore, #tpu.memory_space<semaphore_mem>>
        %dma_start3A_247 = tpu.memref_squeeze %dma_start3A_246 : memref<1x!tpu.dma_semaphore, #tpu.memory_space<semaphore_mem>> -> memref<!tpu.dma_semaphore, #tpu.memory_space<semaphore_mem>>
        tpu.enqueue_indirect_dma source(%dma_start3A_245 : memref<10240x128xf32, #tpu.memory_space<hbm>>) target(%arg16 : memref<80x128xf32, #tpu.memory_space<vmem>>) offsets(%arg8 : memref<80xi32, #tpu.memory_space<vmem>>) semaphore(%dma_start3A_247 : memref<!tpu.dma_semaphore, #tpu.memory_space<semaphore_mem>>)
      } else {
      }
      %mul3A_200 = arith.constant 4 : i32
      %mul3A_201 = arith.muli %mul3A_200, %scan3A_120 : i32
      %add3A_202 = arith.constant 3 : i32
      %add3A_203 = arith.addi %mul3A_201, %add3A_202 : i32
      %mul3A_204 = arith.constant 80 : i32
      %mul3A_205 = arith.muli %add3A_203, %mul3A_204 : i32
      %add3A_206 = arith.addi %mul3A_4, %mul3A_205 : i32
      %dma_wait3A_207 = arith.constant 1 : i32
      %dma_wait3A_208 = arith.constant 0 : i32
      %dma_wait3A_209 = arith.constant 0 : i32
      %dma_wait3A_210 = tpu.memref_slice %arg2[%dma_wait3A_208, %dma_wait3A_209] : memref<10240x128xf32, #tpu.memory_space<hbm>> -> memref<10240x128xf32, #tpu.memory_space<hbm>>
      %dma_wait3A_211 = tpu.memref_slice %arg19[%dma_wait3A_207] : memref<2x!tpu.dma_semaphore, #tpu.memory_space<semaphore_mem>> -> memref<1x!tpu.dma_semaphore, #tpu.memory_space<semaphore_mem>>
      %dma_wait3A_212 = tpu.memref_squeeze %dma_wait3A_211 : memref<1x!tpu.dma_semaphore, #tpu.memory_space<semaphore_mem>> -> memref<!tpu.dma_semaphore, #tpu.memory_space<semaphore_mem>>
      tpu.wait_indirect_dma semaphore(%dma_wait3A_212 : memref<!tpu.dma_semaphore, #tpu.memory_space<semaphore_mem>>) src(%dma_wait3A_210 : memref<10240x128xf32, #tpu.memory_space<hbm>>) dst(%arg17 : memref<80x128xf32, #tpu.memory_space<vmem>>)
      "tpu.region"() ({
        %run_scoped3A = tpu.sem_alloc : memref<!tpu.dma_semaphore, #tpu.memory_space<semaphore_mem>>
        %dma_start3A_228 = arith.constant 0 : i32
        %dma_start3A_229 = arith.constant 0 : i32
        %dma_start3A_230 = tpu.memref_slice %arg7[%dma_start3A_228, %dma_start3A_229] : memref<10240x128xf32, #tpu.memory_space<vmem_shared>> -> memref<10240x128xf32, #tpu.memory_space<vmem_shared>>
        tpu.enqueue_indirect_dma source(%arg17 : memref<80x128xf32, #tpu.memory_space<vmem>>) target(%dma_start3A_230 : memref<10240x128xf32, #tpu.memory_space<vmem_shared>>) offsets(%arg15 : memref<80xi32, #tpu.memory_space<vmem>>) semaphore(%run_scoped3A : memref<!tpu.dma_semaphore, #tpu.memory_space<semaphore_mem>>) {add = true}
        %dma_wait3A_231 = arith.constant 0 : i32
        %dma_wait3A_232 = arith.constant 0 : i32
        %dma_wait3A_233 = tpu.memref_slice %arg7[%dma_wait3A_231, %dma_wait3A_232] : memref<10240x128xf32, #tpu.memory_space<vmem_shared>> -> memref<10240x128xf32, #tpu.memory_space<vmem_shared>>
        tpu.wait_indirect_dma semaphore(%run_scoped3A : memref<!tpu.dma_semaphore, #tpu.memory_space<semaphore_mem>>) src(%arg17 : memref<80x128xf32, #tpu.memory_space<vmem>>) dst(%dma_wait3A_233 : memref<10240x128xf32, #tpu.memory_space<vmem_shared>>)
        tpu.yield
      }) : () -> ()
      %add3A_213 = arith.constant 4 : i32
      %add3A_214 = arith.addi %add3A_203, %add3A_213 : i32
      %lt3A_215 = arith.constant 125 : i32
      %lt3A_216 = arith.cmpi slt, %add3A_214, %lt3A_215 : i32
      %convert_element_type3A_217 = arith.extui %lt3A_216 : i1 to i32
      %cond3A_218 = arith.constant 0 : i32
      %cond3A_219 = arith.cmpi ne, %convert_element_type3A_217, %cond3A_218 : i32
      scf.if %cond3A_219 {
        %add3A_228 = arith.constant 320 : i32
        %add3A_229 = arith.addi %add3A_206, %add3A_228 : i32
        %dma_start3A_230 = arith.constant 3 : i32
        %dma_start3A_231 = tpu.memref_slice %arg3[%add3A_229] : memref<320000xi32, #tpu.memory_space<hbm>> -> memref<80xi32, #tpu.memory_space<hbm>>
        %dma_start3A_232 = tpu.memref_slice %arg18[%dma_start3A_230] : memref<4x!tpu.dma_semaphore, #tpu.memory_space<semaphore_mem>> -> memref<1x!tpu.dma_semaphore, #tpu.memory_space<semaphore_mem>>
        %dma_start3A_233 = tpu.memref_squeeze %dma_start3A_232 : memref<1x!tpu.dma_semaphore, #tpu.memory_space<semaphore_mem>> -> memref<!tpu.dma_semaphore, #tpu.memory_space<semaphore_mem>>
        %dma_start3A_234 = tpu.memref_slice %arg3[%add3A_229] : memref<320000xi32, #tpu.memory_space<hbm>> -> memref<80xi32, #tpu.memory_space<hbm>>
        tpu.enqueue_dma source(%dma_start3A_234 : memref<80xi32, #tpu.memory_space<hbm>>) target(%arg11 : memref<80xi32, #tpu.memory_space<vmem>>) target_semaphore(%dma_start3A_233 : memref<!tpu.dma_semaphore, #tpu.memory_space<semaphore_mem>>)
        %add3A_235 = arith.constant 320 : i32
        %add3A_236 = arith.addi %add3A_206, %add3A_235 : i32
        %dma_start3A_237 = arith.constant 3 : i32
        %dma_start3A_238 = tpu.memref_slice %arg4[%add3A_236] : memref<320000xi32, #tpu.memory_space<hbm>> -> memref<80xi32, #tpu.memory_space<hbm>>
        %dma_start3A_239 = tpu.memref_slice %arg18[%dma_start3A_237] : memref<4x!tpu.dma_semaphore, #tpu.memory_space<semaphore_mem>> -> memref<1x!tpu.dma_semaphore, #tpu.memory_space<semaphore_mem>>
        %dma_start3A_240 = tpu.memref_squeeze %dma_start3A_239 : memref<1x!tpu.dma_semaphore, #tpu.memory_space<semaphore_mem>> -> memref<!tpu.dma_semaphore, #tpu.memory_space<semaphore_mem>>
        %dma_start3A_241 = tpu.memref_slice %arg4[%add3A_236] : memref<320000xi32, #tpu.memory_space<hbm>> -> memref<80xi32, #tpu.memory_space<hbm>>
        tpu.enqueue_dma source(%dma_start3A_241 : memref<80xi32, #tpu.memory_space<hbm>>) target(%arg15 : memref<80xi32, #tpu.memory_space<vmem>>) target_semaphore(%dma_start3A_240 : memref<!tpu.dma_semaphore, #tpu.memory_space<semaphore_mem>>)
      } else {
      }
      %add3A_220 = arith.constant 2 : i32
      %add3A_221 = arith.addi %add3A_203, %add3A_220 : i32
      %lt3A_222 = arith.constant 125 : i32
      %lt3A_223 = arith.cmpi slt, %add3A_221, %lt3A_222 : i32
      %convert_element_type3A_224 = arith.extui %lt3A_223 : i1 to i32
      %cond3A_225 = arith.constant 0 : i32
      %cond3A_226 = arith.cmpi ne, %convert_element_type3A_224, %cond3A_225 : i32
      scf.if %cond3A_226 {
        %add3A_228 = arith.constant 160 : i32
        %add3A_229 = arith.addi %add3A_206, %add3A_228 : i32
        %dma_wait3A_230 = arith.constant 1 : i32
        %dma_wait3A_231 = tpu.memref_slice %arg3[%add3A_229] : memref<320000xi32, #tpu.memory_space<hbm>> -> memref<80xi32, #tpu.memory_space<hbm>>
        %dma_wait3A_232 = tpu.memref_slice %arg18[%dma_wait3A_230] : memref<4x!tpu.dma_semaphore, #tpu.memory_space<semaphore_mem>> -> memref<1x!tpu.dma_semaphore, #tpu.memory_space<semaphore_mem>>
        %dma_wait3A_233 = tpu.memref_squeeze %dma_wait3A_232 : memref<1x!tpu.dma_semaphore, #tpu.memory_space<semaphore_mem>> -> memref<!tpu.dma_semaphore, #tpu.memory_space<semaphore_mem>>
        %dma_wait3A_234 = tpu.memref_slice %arg3[%add3A_229] : memref<320000xi32, #tpu.memory_space<hbm>> -> memref<80xi32, #tpu.memory_space<hbm>>
        tpu.wait_dma2 semaphore(%dma_wait3A_233 : memref<!tpu.dma_semaphore, #tpu.memory_space<semaphore_mem>>) src(%dma_wait3A_234 : memref<80xi32, #tpu.memory_space<hbm>>) dst(%arg9 : memref<80xi32, #tpu.memory_space<vmem>>)
        %add3A_235 = arith.constant 160 : i32
        %add3A_236 = arith.addi %add3A_206, %add3A_235 : i32
        %dma_wait3A_237 = arith.constant 1 : i32
        %dma_wait3A_238 = tpu.memref_slice %arg4[%add3A_236] : memref<320000xi32, #tpu.memory_space<hbm>> -> memref<80xi32, #tpu.memory_space<hbm>>
        %dma_wait3A_239 = tpu.memref_slice %arg18[%dma_wait3A_237] : memref<4x!tpu.dma_semaphore, #tpu.memory_space<semaphore_mem>> -> memref<1x!tpu.dma_semaphore, #tpu.memory_space<semaphore_mem>>
        %dma_wait3A_240 = tpu.memref_squeeze %dma_wait3A_239 : memref<1x!tpu.dma_semaphore, #tpu.memory_space<semaphore_mem>> -> memref<!tpu.dma_semaphore, #tpu.memory_space<semaphore_mem>>
        %dma_wait3A_241 = tpu.memref_slice %arg4[%add3A_236] : memref<320000xi32, #tpu.memory_space<hbm>> -> memref<80xi32, #tpu.memory_space<hbm>>
        tpu.wait_dma2 semaphore(%dma_wait3A_240 : memref<!tpu.dma_semaphore, #tpu.memory_space<semaphore_mem>>) src(%dma_wait3A_241 : memref<80xi32, #tpu.memory_space<hbm>>) dst(%arg13 : memref<80xi32, #tpu.memory_space<vmem>>)
        %dma_start3A_242 = arith.constant 1 : i32
        %dma_start3A_243 = arith.constant 0 : i32
        %dma_start3A_244 = arith.constant 0 : i32
        %dma_start3A_245 = tpu.memref_slice %arg2[%dma_start3A_243, %dma_start3A_244] : memref<10240x128xf32, #tpu.memory_space<hbm>> -> memref<10240x128xf32, #tpu.memory_space<hbm>>
        %dma_start3A_246 = tpu.memref_slice %arg19[%dma_start3A_242] : memref<2x!tpu.dma_semaphore, #tpu.memory_space<semaphore_mem>> -> memref<1x!tpu.dma_semaphore, #tpu.memory_space<semaphore_mem>>
        %dma_start3A_247 = tpu.memref_squeeze %dma_start3A_246 : memref<1x!tpu.dma_semaphore, #tpu.memory_space<semaphore_mem>> -> memref<!tpu.dma_semaphore, #tpu.memory_space<semaphore_mem>>
        tpu.enqueue_indirect_dma source(%dma_start3A_245 : memref<10240x128xf32, #tpu.memory_space<hbm>>) target(%arg17 : memref<80x128xf32, #tpu.memory_space<vmem>>) offsets(%arg9 : memref<80xi32, #tpu.memory_space<vmem>>) semaphore(%dma_start3A_247 : memref<!tpu.dma_semaphore, #tpu.memory_space<semaphore_mem>>)
      } else {
      }
      %scan3A_227 = arith.constant 0 : i32
      scf.yield %scan3A_227 : i32
    }
    %scan3A_106 = arith.constant 31 : i32
    %add3A_107 = arith.constant 9920 : i32
    %add3A_108 = arith.addi %mul3A_4, %add3A_107 : i32
    %dma_wait3A_109 = arith.constant 0 : i32
    %dma_wait3A_110 = arith.constant 0 : i32
    %dma_wait3A_111 = arith.constant 0 : i32
    %dma_wait3A_112 = tpu.memref_slice %arg2[%dma_wait3A_110, %dma_wait3A_111] : memref<10240x128xf32, #tpu.memory_space<hbm>> -> memref<10240x128xf32, #tpu.memory_space<hbm>>
    %dma_wait3A_113 = tpu.memref_slice %arg19[%dma_wait3A_109] : memref<2x!tpu.dma_semaphore, #tpu.memory_space<semaphore_mem>> -> memref<1x!tpu.dma_semaphore, #tpu.memory_space<semaphore_mem>>
    %dma_wait3A_114 = tpu.memref_squeeze %dma_wait3A_113 : memref<1x!tpu.dma_semaphore, #tpu.memory_space<semaphore_mem>> -> memref<!tpu.dma_semaphore, #tpu.memory_space<semaphore_mem>>
    tpu.wait_indirect_dma semaphore(%dma_wait3A_114 : memref<!tpu.dma_semaphore, #tpu.memory_space<semaphore_mem>>) src(%dma_wait3A_112 : memref<10240x128xf32, #tpu.memory_space<hbm>>) dst(%arg16 : memref<80x128xf32, #tpu.memory_space<vmem>>)
    "tpu.region"() ({
      %run_scoped3A = tpu.sem_alloc : memref<!tpu.dma_semaphore, #tpu.memory_space<semaphore_mem>>
      %dma_start3A_120 = arith.constant 0 : i32
      %dma_start3A_121 = arith.constant 0 : i32
      %dma_start3A_122 = tpu.memref_slice %arg7[%dma_start3A_120, %dma_start3A_121] : memref<10240x128xf32, #tpu.memory_space<vmem_shared>> -> memref<10240x128xf32, #tpu.memory_space<vmem_shared>>
      tpu.enqueue_indirect_dma source(%arg16 : memref<80x128xf32, #tpu.memory_space<vmem>>) target(%dma_start3A_122 : memref<10240x128xf32, #tpu.memory_space<vmem_shared>>) offsets(%arg12 : memref<80xi32, #tpu.memory_space<vmem>>) semaphore(%run_scoped3A : memref<!tpu.dma_semaphore, #tpu.memory_space<semaphore_mem>>) {add = true}
      %dma_wait3A_123 = arith.constant 0 : i32
      %dma_wait3A_124 = arith.constant 0 : i32
      %dma_wait3A_125 = tpu.memref_slice %arg7[%dma_wait3A_123, %dma_wait3A_124] : memref<10240x128xf32, #tpu.memory_space<vmem_shared>> -> memref<10240x128xf32, #tpu.memory_space<vmem_shared>>
      tpu.wait_indirect_dma semaphore(%run_scoped3A : memref<!tpu.dma_semaphore, #tpu.memory_space<semaphore_mem>>) src(%arg16 : memref<80x128xf32, #tpu.memory_space<vmem>>) dst(%dma_wait3A_125 : memref<10240x128xf32, #tpu.memory_space<vmem_shared>>)
      tpu.yield
    }) : () -> ()
    %barrier3A_115 = arith.constant 0 : index
    tpu.barrier barrier_id(%barrier3A_115)
    %mul3A_116 = arith.constant 640 : i32
    %mul3A_117 = arith.muli %arg1, %mul3A_116 : i32
    %mul3A_118 = arith.constant 640 : i32
    %mul3A_119 = arith.muli %arg1, %mul3A_118 : i32
    "tpu.region"() ({
      %run_scoped3A = tpu.sem_alloc : memref<!tpu.dma_semaphore, #tpu.memory_space<semaphore_mem>>
      %dma_start3A_120 = arith.constant 0 : i32
      %dma_start3A_121 = tpu.memref_slice %arg6[%arg0, %mul3A_119, %dma_start3A_120] : memref<2x10240x128xf32, #tpu.memory_space<hbm>> -> memref<1x640x128xf32, #tpu.memory_space<hbm>>
      %dma_start3A_122 = tpu.memref_squeeze %dma_start3A_121 : memref<1x640x128xf32, #tpu.memory_space<hbm>> -> memref<640x128xf32, #tpu.memory_space<hbm>>
      %dma_start3A_123 = arith.constant 0 : i32
      %dma_start3A_124 = tpu.memref_slice %arg7[%mul3A_117, %dma_start3A_123] : memref<10240x128xf32, #tpu.memory_space<vmem_shared>> -> memref<640x128xf32, #tpu.memory_space<vmem_shared>>
      tpu.enqueue_dma source(%dma_start3A_124 : memref<640x128xf32, #tpu.memory_space<vmem_shared>>) target(%dma_start3A_122 : memref<640x128xf32, #tpu.memory_space<hbm>>) target_semaphore(%run_scoped3A : memref<!tpu.dma_semaphore, #tpu.memory_space<semaphore_mem>>)
      %dma_wait3A_125 = arith.constant 0 : i32
      %dma_wait3A_126 = tpu.memref_slice %arg6[%arg0, %mul3A_119, %dma_wait3A_125] : memref<2x10240x128xf32, #tpu.memory_space<hbm>> -> memref<1x640x128xf32, #tpu.memory_space<hbm>>
      %dma_wait3A_127 = tpu.memref_squeeze %dma_wait3A_126 : memref<1x640x128xf32, #tpu.memory_space<hbm>> -> memref<640x128xf32, #tpu.memory_space<hbm>>
      %dma_wait3A_128 = arith.constant 0 : i32
      %dma_wait3A_129 = tpu.memref_slice %arg7[%mul3A_117, %dma_wait3A_128] : memref<10240x128xf32, #tpu.memory_space<vmem_shared>> -> memref<640x128xf32, #tpu.memory_space<vmem_shared>>
      tpu.wait_dma2 semaphore(%run_scoped3A : memref<!tpu.dma_semaphore, #tpu.memory_space<semaphore_mem>>) src(%dma_wait3A_129 : memref<640x128xf32, #tpu.memory_space<vmem_shared>>) dst(%dma_wait3A_127 : memref<640x128xf32, #tpu.memory_space<hbm>>)
      tpu.yield
    }) : () -> ()
    return
  }
}

#map = affine_map<(d0, d1) -> (0, 0)>
#map1 = affine_map<(d0, d1) -> (0)>
#map2 = affine_map<(d0, d1) -> (0, 0, 0)>
module attributes {stable_mosaic.version = 14 : i64} {
  func.func @_sc_agg_body(%arg0: i32, %arg1: i32, %arg2: memref<10000x128xf32, #tpu.memory_space<hbm>>, %arg3: memref<320000xi32, #tpu.memory_space<hbm>>, %arg4: memref<320000xi32, #tpu.memory_space<hbm>>, %arg5: memref<640x128xf32, #tpu.memory_space<hbm>>, %arg6: memref<2x10240x128xf32, #tpu.memory_space<hbm>>, %arg7: memref<10240x128xf32, #tpu.memory_space<vmem_shared>>, %arg8: memref<80xi32, #tpu.memory_space<vmem>>, %arg9: memref<80xi32, #tpu.memory_space<vmem>>, %arg10: memref<80xi32, #tpu.memory_space<vmem>>, %arg11: memref<80xi32, #tpu.memory_space<vmem>>, %arg12: memref<80xi32, #tpu.memory_space<vmem>>, %arg13: memref<80xi32, #tpu.memory_space<vmem>>, %arg14: memref<80xi32, #tpu.memory_space<vmem>>, %arg15: memref<80xi32, #tpu.memory_space<vmem>>, %arg16: memref<80x128xf32, #tpu.memory_space<vmem>>, %arg17: memref<80x128xf32, #tpu.memory_space<vmem>>, %arg18: memref<4x!tpu.dma_semaphore, #tpu.memory_space<semaphore_mem>>, %arg19: memref<2x!tpu.dma_semaphore, #tpu.memory_space<semaphore_mem>>) attributes {dimension_semantics = [#tpu.dimension_semantics<core_parallel>, #tpu.dimension_semantics<subcore_parallel>], iteration_bounds = array<i64: 2, 16>, scalar_prefetch = 0 : i64, scratch_operands = 13 : i64, tpu.core_type = #tpu.core_type<sc_vector_subcore>, window_params = [{transform_indices = #map}, {transform_indices = #map1}, {transform_indices = #map1}, {transform_indices = #map}, {transform_indices = #map2}]} {
    %mul3A = arith.constant 2 : i32
    %mul3A_0 = arith.muli %arg1, %mul3A : i32
    %add3A = arith.addi %mul3A_0, %arg0 : i32
    %mul3A_1 = arith.constant 125 : i32
    %mul3A_2 = arith.muli %add3A, %mul3A_1 : i32
    %mul3A_3 = arith.constant 80 : i32
    %mul3A_4 = arith.muli %mul3A_2, %mul3A_3 : i32
    %add3A_5 = arith.constant 0 : i32
    %add3A_6 = arith.addi %mul3A_4, %add3A_5 : i32
    %dma_start3A = arith.constant 0 : i32
    %dma_start3A_7 = tpu.memref_slice %arg3[%add3A_6] : memref<320000xi32, #tpu.memory_space<hbm>> -> memref<80xi32, #tpu.memory_space<hbm>>
    %dma_start3A_8 = tpu.memref_slice %arg18[%dma_start3A] : memref<4x!tpu.dma_semaphore, #tpu.memory_space<semaphore_mem>> -> memref<1x!tpu.dma_semaphore, #tpu.memory_space<semaphore_mem>>
    %dma_start3A_9 = tpu.memref_squeeze %dma_start3A_8 : memref<1x!tpu.dma_semaphore, #tpu.memory_space<semaphore_mem>> -> memref<!tpu.dma_semaphore, #tpu.memory_space<semaphore_mem>>
    %dma_start3A_10 = tpu.memref_slice %arg3[%add3A_6] : memref<320000xi32, #tpu.memory_space<hbm>> -> memref<80xi32, #tpu.memory_space<hbm>>
    tpu.enqueue_dma source(%dma_start3A_10 : memref<80xi32, #tpu.memory_space<hbm>>) target(%arg8 : memref<80xi32, #tpu.memory_space<vmem>>) target_semaphore(%dma_start3A_9 : memref<!tpu.dma_semaphore, #tpu.memory_space<semaphore_mem>>)
    %add3A_11 = arith.constant 0 : i32
    %add3A_12 = arith.addi %mul3A_4, %add3A_11 : i32
    %dma_start3A_13 = arith.constant 0 : i32
    %dma_start3A_14 = tpu.memref_slice %arg4[%add3A_12] : memref<320000xi32, #tpu.memory_space<hbm>> -> memref<80xi32, #tpu.memory_space<hbm>>
    %dma_start3A_15 = tpu.memref_slice %arg18[%dma_start3A_13] : memref<4x!tpu.dma_semaphore, #tpu.memory_space<semaphore_mem>> -> memref<1x!tpu.dma_semaphore, #tpu.memory_space<semaphore_mem>>
    %dma_start3A_16 = tpu.memref_squeeze %dma_start3A_15 : memref<1x!tpu.dma_semaphore, #tpu.memory_space<semaphore_mem>> -> memref<!tpu.dma_semaphore, #tpu.memory_space<semaphore_mem>>
    %dma_start3A_17 = tpu.memref_slice %arg4[%add3A_12] : memref<320000xi32, #tpu.memory_space<hbm>> -> memref<80xi32, #tpu.memory_space<hbm>>
    tpu.enqueue_dma source(%dma_start3A_17 : memref<80xi32, #tpu.memory_space<hbm>>) target(%arg12 : memref<80xi32, #tpu.memory_space<vmem>>) target_semaphore(%dma_start3A_16 : memref<!tpu.dma_semaphore, #tpu.memory_space<semaphore_mem>>)
    %add3A_18 = arith.constant 80 : i32
    %add3A_19 = arith.addi %mul3A_4, %add3A_18 : i32
    %dma_start3A_20 = arith.constant 1 : i32
    %dma_start3A_21 = tpu.memref_slice %arg3[%add3A_19] : memref<320000xi32, #tpu.memory_space<hbm>> -> memref<80xi32, #tpu.memory_space<hbm>>
    %dma_start3A_22 = tpu.memref_slice %arg18[%dma_start3A_20] : memref<4x!tpu.dma_semaphore, #tpu.memory_space<semaphore_mem>> -> memref<1x!tpu.dma_semaphore, #tpu.memory_space<semaphore_mem>>
    %dma_start3A_23 = tpu.memref_squeeze %dma_start3A_22 : memref<1x!tpu.dma_semaphore, #tpu.memory_space<semaphore_mem>> -> memref<!tpu.dma_semaphore, #tpu.memory_space<semaphore_mem>>
    %dma_start3A_24 = tpu.memref_slice %arg3[%add3A_19] : memref<320000xi32, #tpu.memory_space<hbm>> -> memref<80xi32, #tpu.memory_space<hbm>>
    tpu.enqueue_dma source(%dma_start3A_24 : memref<80xi32, #tpu.memory_space<hbm>>) target(%arg9 : memref<80xi32, #tpu.memory_space<vmem>>) target_semaphore(%dma_start3A_23 : memref<!tpu.dma_semaphore, #tpu.memory_space<semaphore_mem>>)
    %add3A_25 = arith.constant 80 : i32
    %add3A_26 = arith.addi %mul3A_4, %add3A_25 : i32
    %dma_start3A_27 = arith.constant 1 : i32
    %dma_start3A_28 = tpu.memref_slice %arg4[%add3A_26] : memref<320000xi32, #tpu.memory_space<hbm>> -> memref<80xi32, #tpu.memory_space<hbm>>
    %dma_start3A_29 = tpu.memref_slice %arg18[%dma_start3A_27] : memref<4x!tpu.dma_semaphore, #tpu.memory_space<semaphore_mem>> -> memref<1x!tpu.dma_semaphore, #tpu.memory_space<semaphore_mem>>
    %dma_start3A_30 = tpu.memref_squeeze %dma_start3A_29 : memref<1x!tpu.dma_semaphore, #tpu.memory_space<semaphore_mem>> -> memref<!tpu.dma_semaphore, #tpu.memory_space<semaphore_mem>>
    %dma_start3A_31 = tpu.memref_slice %arg4[%add3A_26] : memref<320000xi32, #tpu.memory_space<hbm>> -> memref<80xi32, #tpu.memory_space<hbm>>
    tpu.enqueue_dma source(%dma_start3A_31 : memref<80xi32, #tpu.memory_space<hbm>>) target(%arg13 : memref<80xi32, #tpu.memory_space<vmem>>) target_semaphore(%dma_start3A_30 : memref<!tpu.dma_semaphore, #tpu.memory_space<semaphore_mem>>)
    %add3A_32 = arith.constant 160 : i32
    %add3A_33 = arith.addi %mul3A_4, %add3A_32 : i32
    %dma_start3A_34 = arith.constant 2 : i32
    %dma_start3A_35 = tpu.memref_slice %arg3[%add3A_33] : memref<320000xi32, #tpu.memory_space<hbm>> -> memref<80xi32, #tpu.memory_space<hbm>>
    %dma_start3A_36 = tpu.memref_slice %arg18[%dma_start3A_34] : memref<4x!tpu.dma_semaphore, #tpu.memory_space<semaphore_mem>> -> memref<1x!tpu.dma_semaphore, #tpu.memory_space<semaphore_mem>>
    %dma_start3A_37 = tpu.memref_squeeze %dma_start3A_36 : memref<1x!tpu.dma_semaphore, #tpu.memory_space<semaphore_mem>> -> memref<!tpu.dma_semaphore, #tpu.memory_space<semaphore_mem>>
    %dma_start3A_38 = tpu.memref_slice %arg3[%add3A_33] : memref<320000xi32, #tpu.memory_space<hbm>> -> memref<80xi32, #tpu.memory_space<hbm>>
    tpu.enqueue_dma source(%dma_start3A_38 : memref<80xi32, #tpu.memory_space<hbm>>) target(%arg10 : memref<80xi32, #tpu.memory_space<vmem>>) target_semaphore(%dma_start3A_37 : memref<!tpu.dma_semaphore, #tpu.memory_space<semaphore_mem>>)
    %add3A_39 = arith.constant 160 : i32
    %add3A_40 = arith.addi %mul3A_4, %add3A_39 : i32
    %dma_start3A_41 = arith.constant 2 : i32
    %dma_start3A_42 = tpu.memref_slice %arg4[%add3A_40] : memref<320000xi32, #tpu.memory_space<hbm>> -> memref<80xi32, #tpu.memory_space<hbm>>
    %dma_start3A_43 = tpu.memref_slice %arg18[%dma_start3A_41] : memref<4x!tpu.dma_semaphore, #tpu.memory_space<semaphore_mem>> -> memref<1x!tpu.dma_semaphore, #tpu.memory_space<semaphore_mem>>
    %dma_start3A_44 = tpu.memref_squeeze %dma_start3A_43 : memref<1x!tpu.dma_semaphore, #tpu.memory_space<semaphore_mem>> -> memref<!tpu.dma_semaphore, #tpu.memory_space<semaphore_mem>>
    %dma_start3A_45 = tpu.memref_slice %arg4[%add3A_40] : memref<320000xi32, #tpu.memory_space<hbm>> -> memref<80xi32, #tpu.memory_space<hbm>>
    tpu.enqueue_dma source(%dma_start3A_45 : memref<80xi32, #tpu.memory_space<hbm>>) target(%arg14 : memref<80xi32, #tpu.memory_space<vmem>>) target_semaphore(%dma_start3A_44 : memref<!tpu.dma_semaphore, #tpu.memory_space<semaphore_mem>>)
    %add3A_46 = arith.constant 240 : i32
    %add3A_47 = arith.addi %mul3A_4, %add3A_46 : i32
    %dma_start3A_48 = arith.constant 3 : i32
    %dma_start3A_49 = tpu.memref_slice %arg3[%add3A_47] : memref<320000xi32, #tpu.memory_space<hbm>> -> memref<80xi32, #tpu.memory_space<hbm>>
    %dma_start3A_50 = tpu.memref_slice %arg18[%dma_start3A_48] : memref<4x!tpu.dma_semaphore, #tpu.memory_space<semaphore_mem>> -> memref<1x!tpu.dma_semaphore, #tpu.memory_space<semaphore_mem>>
    %dma_start3A_51 = tpu.memref_squeeze %dma_start3A_50 : memref<1x!tpu.dma_semaphore, #tpu.memory_space<semaphore_mem>> -> memref<!tpu.dma_semaphore, #tpu.memory_space<semaphore_mem>>
    %dma_start3A_52 = tpu.memref_slice %arg3[%add3A_47] : memref<320000xi32, #tpu.memory_space<hbm>> -> memref<80xi32, #tpu.memory_space<hbm>>
    tpu.enqueue_dma source(%dma_start3A_52 : memref<80xi32, #tpu.memory_space<hbm>>) target(%arg11 : memref<80xi32, #tpu.memory_space<vmem>>) target_semaphore(%dma_start3A_51 : memref<!tpu.dma_semaphore, #tpu.memory_space<semaphore_mem>>)
    %add3A_53 = arith.constant 240 : i32
    %add3A_54 = arith.addi %mul3A_4, %add3A_53 : i32
    %dma_start3A_55 = arith.constant 3 : i32
    %dma_start3A_56 = tpu.memref_slice %arg4[%add3A_54] : memref<320000xi32, #tpu.memory_space<hbm>> -> memref<80xi32, #tpu.memory_space<hbm>>
    %dma_start3A_57 = tpu.memref_slice %arg18[%dma_start3A_55] : memref<4x!tpu.dma_semaphore, #tpu.memory_space<semaphore_mem>> -> memref<1x!tpu.dma_semaphore, #tpu.memory_space<semaphore_mem>>
    %dma_start3A_58 = tpu.memref_squeeze %dma_start3A_57 : memref<1x!tpu.dma_semaphore, #tpu.memory_space<semaphore_mem>> -> memref<!tpu.dma_semaphore, #tpu.memory_space<semaphore_mem>>
    %dma_start3A_59 = tpu.memref_slice %arg4[%add3A_54] : memref<320000xi32, #tpu.memory_space<hbm>> -> memref<80xi32, #tpu.memory_space<hbm>>
    tpu.enqueue_dma source(%dma_start3A_59 : memref<80xi32, #tpu.memory_space<hbm>>) target(%arg15 : memref<80xi32, #tpu.memory_space<vmem>>) target_semaphore(%dma_start3A_58 : memref<!tpu.dma_semaphore, #tpu.memory_space<semaphore_mem>>)
    %mul3A_60 = arith.constant 640 : i32
    %mul3A_61 = arith.muli %arg1, %mul3A_60 : i32
    "tpu.region"() ({
      %run_scoped3A = tpu.sem_alloc : memref<!tpu.dma_semaphore, #tpu.memory_space<semaphore_mem>>
      %dma_start3A_120 = arith.constant 0 : i32
      %dma_start3A_121 = tpu.memref_slice %arg7[%mul3A_61, %dma_start3A_120] : memref<10240x128xf32, #tpu.memory_space<vmem_shared>> -> memref<640x128xf32, #tpu.memory_space<vmem_shared>>
      tpu.enqueue_dma source(%arg5 : memref<640x128xf32, #tpu.memory_space<hbm>>) target(%dma_start3A_121 : memref<640x128xf32, #tpu.memory_space<vmem_shared>>) target_semaphore(%run_scoped3A : memref<!tpu.dma_semaphore, #tpu.memory_space<semaphore_mem>>)
      %dma_wait3A_122 = arith.constant 0 : i32
      %dma_wait3A_123 = tpu.memref_slice %arg7[%mul3A_61, %dma_wait3A_122] : memref<10240x128xf32, #tpu.memory_space<vmem_shared>> -> memref<640x128xf32, #tpu.memory_space<vmem_shared>>
      tpu.wait_dma2 semaphore(%run_scoped3A : memref<!tpu.dma_semaphore, #tpu.memory_space<semaphore_mem>>) src(%arg5 : memref<640x128xf32, #tpu.memory_space<hbm>>) dst(%dma_wait3A_123 : memref<640x128xf32, #tpu.memory_space<vmem_shared>>)
      tpu.yield
    }) : () -> ()
    %add3A_62 = arith.constant 0 : i32
    %add3A_63 = arith.addi %mul3A_4, %add3A_62 : i32
    %dma_wait3A = arith.constant 0 : i32
    %dma_wait3A_64 = tpu.memref_slice %arg3[%add3A_63] : memref<320000xi32, #tpu.memory_space<hbm>> -> memref<80xi32, #tpu.memory_space<hbm>>
    %dma_wait3A_65 = tpu.memref_slice %arg18[%dma_wait3A] : memref<4x!tpu.dma_semaphore, #tpu.memory_space<semaphore_mem>> -> memref<1x!tpu.dma_semaphore, #tpu.memory_space<semaphore_mem>>
    %dma_wait3A_66 = tpu.memref_squeeze %dma_wait3A_65 : memref<1x!tpu.dma_semaphore, #tpu.memory_space<semaphore_mem>> -> memref<!tpu.dma_semaphore, #tpu.memory_space<semaphore_mem>>
    %dma_wait3A_67 = tpu.memref_slice %arg3[%add3A_63] : memref<320000xi32, #tpu.memory_space<hbm>> -> memref<80xi32, #tpu.memory_space<hbm>>
    tpu.wait_dma2 semaphore(%dma_wait3A_66 : memref<!tpu.dma_semaphore, #tpu.memory_space<semaphore_mem>>) src(%dma_wait3A_67 : memref<80xi32, #tpu.memory_space<hbm>>) dst(%arg8 : memref<80xi32, #tpu.memory_space<vmem>>)
    %add3A_68 = arith.constant 0 : i32
    %add3A_69 = arith.addi %mul3A_4, %add3A_68 : i32
    %dma_wait3A_70 = arith.constant 0 : i32
    %dma_wait3A_71 = tpu.memref_slice %arg4[%add3A_69] : memref<320000xi32, #tpu.memory_space<hbm>> -> memref<80xi32, #tpu.memory_space<hbm>>
    %dma_wait3A_72 = tpu.memref_slice %arg18[%dma_wait3A_70] : memref<4x!tpu.dma_semaphore, #tpu.memory_space<semaphore_mem>> -> memref<1x!tpu.dma_semaphore, #tpu.memory_space<semaphore_mem>>
    %dma_wait3A_73 = tpu.memref_squeeze %dma_wait3A_72 : memref<1x!tpu.dma_semaphore, #tpu.memory_space<semaphore_mem>> -> memref<!tpu.dma_semaphore, #tpu.memory_space<semaphore_mem>>
    %dma_wait3A_74 = tpu.memref_slice %arg4[%add3A_69] : memref<320000xi32, #tpu.memory_space<hbm>> -> memref<80xi32, #tpu.memory_space<hbm>>
    tpu.wait_dma2 semaphore(%dma_wait3A_73 : memref<!tpu.dma_semaphore, #tpu.memory_space<semaphore_mem>>) src(%dma_wait3A_74 : memref<80xi32, #tpu.memory_space<hbm>>) dst(%arg12 : memref<80xi32, #tpu.memory_space<vmem>>)
    %dma_start3A_75 = arith.constant 0 : i32
    %dma_start3A_76 = arith.constant 0 : i32
    %dma_start3A_77 = arith.constant 0 : i32
    %dma_start3A_78 = tpu.memref_slice %arg2[%dma_start3A_76, %dma_start3A_77] : memref<10000x128xf32, #tpu.memory_space<hbm>> -> memref<10000x128xf32, #tpu.memory_space<hbm>>
    %dma_start3A_79 = tpu.memref_slice %arg19[%dma_start3A_75] : memref<2x!tpu.dma_semaphore, #tpu.memory_space<semaphore_mem>> -> memref<1x!tpu.dma_semaphore, #tpu.memory_space<semaphore_mem>>
    %dma_start3A_80 = tpu.memref_squeeze %dma_start3A_79 : memref<1x!tpu.dma_semaphore, #tpu.memory_space<semaphore_mem>> -> memref<!tpu.dma_semaphore, #tpu.memory_space<semaphore_mem>>
    tpu.enqueue_indirect_dma source(%dma_start3A_78 : memref<10000x128xf32, #tpu.memory_space<hbm>>) target(%arg16 : memref<80x128xf32, #tpu.memory_space<vmem>>) offsets(%arg8 : memref<80xi32, #tpu.memory_space<vmem>>) semaphore(%dma_start3A_80 : memref<!tpu.dma_semaphore, #tpu.memory_space<semaphore_mem>>)
    %add3A_81 = arith.constant 80 : i32
    %add3A_82 = arith.addi %mul3A_4, %add3A_81 : i32
    %dma_wait3A_83 = arith.constant 1 : i32
    %dma_wait3A_84 = tpu.memref_slice %arg3[%add3A_82] : memref<320000xi32, #tpu.memory_space<hbm>> -> memref<80xi32, #tpu.memory_space<hbm>>
    %dma_wait3A_85 = tpu.memref_slice %arg18[%dma_wait3A_83] : memref<4x!tpu.dma_semaphore, #tpu.memory_space<semaphore_mem>> -> memref<1x!tpu.dma_semaphore, #tpu.memory_space<semaphore_mem>>
    %dma_wait3A_86 = tpu.memref_squeeze %dma_wait3A_85 : memref<1x!tpu.dma_semaphore, #tpu.memory_space<semaphore_mem>> -> memref<!tpu.dma_semaphore, #tpu.memory_space<semaphore_mem>>
    %dma_wait3A_87 = tpu.memref_slice %arg3[%add3A_82] : memref<320000xi32, #tpu.memory_space<hbm>> -> memref<80xi32, #tpu.memory_space<hbm>>
    tpu.wait_dma2 semaphore(%dma_wait3A_86 : memref<!tpu.dma_semaphore, #tpu.memory_space<semaphore_mem>>) src(%dma_wait3A_87 : memref<80xi32, #tpu.memory_space<hbm>>) dst(%arg9 : memref<80xi32, #tpu.memory_space<vmem>>)
    %add3A_88 = arith.constant 80 : i32
    %add3A_89 = arith.addi %mul3A_4, %add3A_88 : i32
    %dma_wait3A_90 = arith.constant 1 : i32
    %dma_wait3A_91 = tpu.memref_slice %arg4[%add3A_89] : memref<320000xi32, #tpu.memory_space<hbm>> -> memref<80xi32, #tpu.memory_space<hbm>>
    %dma_wait3A_92 = tpu.memref_slice %arg18[%dma_wait3A_90] : memref<4x!tpu.dma_semaphore, #tpu.memory_space<semaphore_mem>> -> memref<1x!tpu.dma_semaphore, #tpu.memory_space<semaphore_mem>>
    %dma_wait3A_93 = tpu.memref_squeeze %dma_wait3A_92 : memref<1x!tpu.dma_semaphore, #tpu.memory_space<semaphore_mem>> -> memref<!tpu.dma_semaphore, #tpu.memory_space<semaphore_mem>>
    %dma_wait3A_94 = tpu.memref_slice %arg4[%add3A_89] : memref<320000xi32, #tpu.memory_space<hbm>> -> memref<80xi32, #tpu.memory_space<hbm>>
    tpu.wait_dma2 semaphore(%dma_wait3A_93 : memref<!tpu.dma_semaphore, #tpu.memory_space<semaphore_mem>>) src(%dma_wait3A_94 : memref<80xi32, #tpu.memory_space<hbm>>) dst(%arg13 : memref<80xi32, #tpu.memory_space<vmem>>)
    %dma_start3A_95 = arith.constant 1 : i32
    %dma_start3A_96 = arith.constant 0 : i32
    %dma_start3A_97 = arith.constant 0 : i32
    %dma_start3A_98 = tpu.memref_slice %arg2[%dma_start3A_96, %dma_start3A_97] : memref<10000x128xf32, #tpu.memory_space<hbm>> -> memref<10000x128xf32, #tpu.memory_space<hbm>>
    %dma_start3A_99 = tpu.memref_slice %arg19[%dma_start3A_95] : memref<2x!tpu.dma_semaphore, #tpu.memory_space<semaphore_mem>> -> memref<1x!tpu.dma_semaphore, #tpu.memory_space<semaphore_mem>>
    %dma_start3A_100 = tpu.memref_squeeze %dma_start3A_99 : memref<1x!tpu.dma_semaphore, #tpu.memory_space<semaphore_mem>> -> memref<!tpu.dma_semaphore, #tpu.memory_space<semaphore_mem>>
    tpu.enqueue_indirect_dma source(%dma_start3A_98 : memref<10000x128xf32, #tpu.memory_space<hbm>>) target(%arg17 : memref<80x128xf32, #tpu.memory_space<vmem>>) offsets(%arg9 : memref<80xi32, #tpu.memory_space<vmem>>) semaphore(%dma_start3A_100 : memref<!tpu.dma_semaphore, #tpu.memory_space<semaphore_mem>>)
    %barrier3A = arith.constant 0 : index
    tpu.barrier barrier_id(%barrier3A)
    %scan3A = arith.constant 0 : i32
    %scan3A_101 = arith.constant 0 : i32
    %scan3A_102 = arith.constant 31 : i32
    %scan3A_103 = arith.addi %scan3A_101, %scan3A_102 : i32
    %scan3A_104 = arith.constant 1 : i32
    %scan3A_105 = scf.for %scan3A_120 = %scan3A_101 to %scan3A_103 step %scan3A_104 iter_args(%scan3A_121 = %scan3A) -> (i32)  : i32 {
      %mul3A_122 = arith.constant 4 : i32
      %mul3A_123 = arith.muli %mul3A_122, %scan3A_120 : i32
      %add3A_124 = arith.constant 0 : i32
      %add3A_125 = arith.addi %mul3A_123, %add3A_124 : i32
      %mul3A_126 = arith.constant 80 : i32
      %mul3A_127 = arith.muli %add3A_125, %mul3A_126 : i32
      %add3A_128 = arith.addi %mul3A_4, %mul3A_127 : i32
      %dma_wait3A_129 = arith.constant 0 : i32
      %dma_wait3A_130 = arith.constant 0 : i32
      %dma_wait3A_131 = arith.constant 0 : i32
      %dma_wait3A_132 = tpu.memref_slice %arg2[%dma_wait3A_130, %dma_wait3A_131] : memref<10000x128xf32, #tpu.memory_space<hbm>> -> memref<10000x128xf32, #tpu.memory_space<hbm>>
      %dma_wait3A_133 = tpu.memref_slice %arg19[%dma_wait3A_129] : memref<2x!tpu.dma_semaphore, #tpu.memory_space<semaphore_mem>> -> memref<1x!tpu.dma_semaphore, #tpu.memory_space<semaphore_mem>>
      %dma_wait3A_134 = tpu.memref_squeeze %dma_wait3A_133 : memref<1x!tpu.dma_semaphore, #tpu.memory_space<semaphore_mem>> -> memref<!tpu.dma_semaphore, #tpu.memory_space<semaphore_mem>>
      tpu.wait_indirect_dma semaphore(%dma_wait3A_134 : memref<!tpu.dma_semaphore, #tpu.memory_space<semaphore_mem>>) src(%dma_wait3A_132 : memref<10000x128xf32, #tpu.memory_space<hbm>>) dst(%arg16 : memref<80x128xf32, #tpu.memory_space<vmem>>)
      "tpu.region"() ({
        %run_scoped3A = tpu.sem_alloc : memref<!tpu.dma_semaphore, #tpu.memory_space<semaphore_mem>>
        %dma_start3A_228 = arith.constant 0 : i32
        %dma_start3A_229 = arith.constant 0 : i32
        %dma_start3A_230 = tpu.memref_slice %arg7[%dma_start3A_228, %dma_start3A_229] : memref<10240x128xf32, #tpu.memory_space<vmem_shared>> -> memref<10240x128xf32, #tpu.memory_space<vmem_shared>>
        tpu.enqueue_indirect_dma source(%arg16 : memref<80x128xf32, #tpu.memory_space<vmem>>) target(%dma_start3A_230 : memref<10240x128xf32, #tpu.memory_space<vmem_shared>>) offsets(%arg12 : memref<80xi32, #tpu.memory_space<vmem>>) semaphore(%run_scoped3A : memref<!tpu.dma_semaphore, #tpu.memory_space<semaphore_mem>>) {add = true}
        %dma_wait3A_231 = arith.constant 0 : i32
        %dma_wait3A_232 = arith.constant 0 : i32
        %dma_wait3A_233 = tpu.memref_slice %arg7[%dma_wait3A_231, %dma_wait3A_232] : memref<10240x128xf32, #tpu.memory_space<vmem_shared>> -> memref<10240x128xf32, #tpu.memory_space<vmem_shared>>
        tpu.wait_indirect_dma semaphore(%run_scoped3A : memref<!tpu.dma_semaphore, #tpu.memory_space<semaphore_mem>>) src(%arg16 : memref<80x128xf32, #tpu.memory_space<vmem>>) dst(%dma_wait3A_233 : memref<10240x128xf32, #tpu.memory_space<vmem_shared>>)
        tpu.yield
      }) : () -> ()
      %add3A_135 = arith.constant 4 : i32
      %add3A_136 = arith.addi %add3A_125, %add3A_135 : i32
      %lt3A = arith.constant 125 : i32
      %lt3A_137 = arith.cmpi slt, %add3A_136, %lt3A : i32
      %convert_element_type3A = arith.extui %lt3A_137 : i1 to i32
      %cond3A = arith.constant 0 : i32
      %cond3A_138 = arith.cmpi ne, %convert_element_type3A, %cond3A : i32
      scf.if %cond3A_138 {
        %add3A_228 = arith.constant 320 : i32
        %add3A_229 = arith.addi %add3A_128, %add3A_228 : i32
        %dma_start3A_230 = arith.constant 0 : i32
        %dma_start3A_231 = tpu.memref_slice %arg3[%add3A_229] : memref<320000xi32, #tpu.memory_space<hbm>> -> memref<80xi32, #tpu.memory_space<hbm>>
        %dma_start3A_232 = tpu.memref_slice %arg18[%dma_start3A_230] : memref<4x!tpu.dma_semaphore, #tpu.memory_space<semaphore_mem>> -> memref<1x!tpu.dma_semaphore, #tpu.memory_space<semaphore_mem>>
        %dma_start3A_233 = tpu.memref_squeeze %dma_start3A_232 : memref<1x!tpu.dma_semaphore, #tpu.memory_space<semaphore_mem>> -> memref<!tpu.dma_semaphore, #tpu.memory_space<semaphore_mem>>
        %dma_start3A_234 = tpu.memref_slice %arg3[%add3A_229] : memref<320000xi32, #tpu.memory_space<hbm>> -> memref<80xi32, #tpu.memory_space<hbm>>
        tpu.enqueue_dma source(%dma_start3A_234 : memref<80xi32, #tpu.memory_space<hbm>>) target(%arg8 : memref<80xi32, #tpu.memory_space<vmem>>) target_semaphore(%dma_start3A_233 : memref<!tpu.dma_semaphore, #tpu.memory_space<semaphore_mem>>)
        %add3A_235 = arith.constant 320 : i32
        %add3A_236 = arith.addi %add3A_128, %add3A_235 : i32
        %dma_start3A_237 = arith.constant 0 : i32
        %dma_start3A_238 = tpu.memref_slice %arg4[%add3A_236] : memref<320000xi32, #tpu.memory_space<hbm>> -> memref<80xi32, #tpu.memory_space<hbm>>
        %dma_start3A_239 = tpu.memref_slice %arg18[%dma_start3A_237] : memref<4x!tpu.dma_semaphore, #tpu.memory_space<semaphore_mem>> -> memref<1x!tpu.dma_semaphore, #tpu.memory_space<semaphore_mem>>
        %dma_start3A_240 = tpu.memref_squeeze %dma_start3A_239 : memref<1x!tpu.dma_semaphore, #tpu.memory_space<semaphore_mem>> -> memref<!tpu.dma_semaphore, #tpu.memory_space<semaphore_mem>>
        %dma_start3A_241 = tpu.memref_slice %arg4[%add3A_236] : memref<320000xi32, #tpu.memory_space<hbm>> -> memref<80xi32, #tpu.memory_space<hbm>>
        tpu.enqueue_dma source(%dma_start3A_241 : memref<80xi32, #tpu.memory_space<hbm>>) target(%arg12 : memref<80xi32, #tpu.memory_space<vmem>>) target_semaphore(%dma_start3A_240 : memref<!tpu.dma_semaphore, #tpu.memory_space<semaphore_mem>>)
      } else {
      }
      %add3A_139 = arith.constant 2 : i32
      %add3A_140 = arith.addi %add3A_125, %add3A_139 : i32
      %lt3A_141 = arith.constant 125 : i32
      %lt3A_142 = arith.cmpi slt, %add3A_140, %lt3A_141 : i32
      %convert_element_type3A_143 = arith.extui %lt3A_142 : i1 to i32
      %cond3A_144 = arith.constant 0 : i32
      %cond3A_145 = arith.cmpi ne, %convert_element_type3A_143, %cond3A_144 : i32
      scf.if %cond3A_145 {
        %add3A_228 = arith.constant 160 : i32
        %add3A_229 = arith.addi %add3A_128, %add3A_228 : i32
        %dma_wait3A_230 = arith.constant 2 : i32
        %dma_wait3A_231 = tpu.memref_slice %arg3[%add3A_229] : memref<320000xi32, #tpu.memory_space<hbm>> -> memref<80xi32, #tpu.memory_space<hbm>>
        %dma_wait3A_232 = tpu.memref_slice %arg18[%dma_wait3A_230] : memref<4x!tpu.dma_semaphore, #tpu.memory_space<semaphore_mem>> -> memref<1x!tpu.dma_semaphore, #tpu.memory_space<semaphore_mem>>
        %dma_wait3A_233 = tpu.memref_squeeze %dma_wait3A_232 : memref<1x!tpu.dma_semaphore, #tpu.memory_space<semaphore_mem>> -> memref<!tpu.dma_semaphore, #tpu.memory_space<semaphore_mem>>
        %dma_wait3A_234 = tpu.memref_slice %arg3[%add3A_229] : memref<320000xi32, #tpu.memory_space<hbm>> -> memref<80xi32, #tpu.memory_space<hbm>>
        tpu.wait_dma2 semaphore(%dma_wait3A_233 : memref<!tpu.dma_semaphore, #tpu.memory_space<semaphore_mem>>) src(%dma_wait3A_234 : memref<80xi32, #tpu.memory_space<hbm>>) dst(%arg10 : memref<80xi32, #tpu.memory_space<vmem>>)
        %add3A_235 = arith.constant 160 : i32
        %add3A_236 = arith.addi %add3A_128, %add3A_235 : i32
        %dma_wait3A_237 = arith.constant 2 : i32
        %dma_wait3A_238 = tpu.memref_slice %arg4[%add3A_236] : memref<320000xi32, #tpu.memory_space<hbm>> -> memref<80xi32, #tpu.memory_space<hbm>>
        %dma_wait3A_239 = tpu.memref_slice %arg18[%dma_wait3A_237] : memref<4x!tpu.dma_semaphore, #tpu.memory_space<semaphore_mem>> -> memref<1x!tpu.dma_semaphore, #tpu.memory_space<semaphore_mem>>
        %dma_wait3A_240 = tpu.memref_squeeze %dma_wait3A_239 : memref<1x!tpu.dma_semaphore, #tpu.memory_space<semaphore_mem>> -> memref<!tpu.dma_semaphore, #tpu.memory_space<semaphore_mem>>
        %dma_wait3A_241 = tpu.memref_slice %arg4[%add3A_236] : memref<320000xi32, #tpu.memory_space<hbm>> -> memref<80xi32, #tpu.memory_space<hbm>>
        tpu.wait_dma2 semaphore(%dma_wait3A_240 : memref<!tpu.dma_semaphore, #tpu.memory_space<semaphore_mem>>) src(%dma_wait3A_241 : memref<80xi32, #tpu.memory_space<hbm>>) dst(%arg14 : memref<80xi32, #tpu.memory_space<vmem>>)
        %dma_start3A_242 = arith.constant 0 : i32
        %dma_start3A_243 = arith.constant 0 : i32
        %dma_start3A_244 = arith.constant 0 : i32
        %dma_start3A_245 = tpu.memref_slice %arg2[%dma_start3A_243, %dma_start3A_244] : memref<10000x128xf32, #tpu.memory_space<hbm>> -> memref<10000x128xf32, #tpu.memory_space<hbm>>
        %dma_start3A_246 = tpu.memref_slice %arg19[%dma_start3A_242] : memref<2x!tpu.dma_semaphore, #tpu.memory_space<semaphore_mem>> -> memref<1x!tpu.dma_semaphore, #tpu.memory_space<semaphore_mem>>
        %dma_start3A_247 = tpu.memref_squeeze %dma_start3A_246 : memref<1x!tpu.dma_semaphore, #tpu.memory_space<semaphore_mem>> -> memref<!tpu.dma_semaphore, #tpu.memory_space<semaphore_mem>>
        tpu.enqueue_indirect_dma source(%dma_start3A_245 : memref<10000x128xf32, #tpu.memory_space<hbm>>) target(%arg16 : memref<80x128xf32, #tpu.memory_space<vmem>>) offsets(%arg10 : memref<80xi32, #tpu.memory_space<vmem>>) semaphore(%dma_start3A_247 : memref<!tpu.dma_semaphore, #tpu.memory_space<semaphore_mem>>)
      } else {
      }
      %mul3A_146 = arith.constant 4 : i32
      %mul3A_147 = arith.muli %mul3A_146, %scan3A_120 : i32
      %add3A_148 = arith.constant 1 : i32
      %add3A_149 = arith.addi %mul3A_147, %add3A_148 : i32
      %mul3A_150 = arith.constant 80 : i32
      %mul3A_151 = arith.muli %add3A_149, %mul3A_150 : i32
      %add3A_152 = arith.addi %mul3A_4, %mul3A_151 : i32
      %dma_wait3A_153 = arith.constant 1 : i32
      %dma_wait3A_154 = arith.constant 0 : i32
      %dma_wait3A_155 = arith.constant 0 : i32
      %dma_wait3A_156 = tpu.memref_slice %arg2[%dma_wait3A_154, %dma_wait3A_155] : memref<10000x128xf32, #tpu.memory_space<hbm>> -> memref<10000x128xf32, #tpu.memory_space<hbm>>
      %dma_wait3A_157 = tpu.memref_slice %arg19[%dma_wait3A_153] : memref<2x!tpu.dma_semaphore, #tpu.memory_space<semaphore_mem>> -> memref<1x!tpu.dma_semaphore, #tpu.memory_space<semaphore_mem>>
      %dma_wait3A_158 = tpu.memref_squeeze %dma_wait3A_157 : memref<1x!tpu.dma_semaphore, #tpu.memory_space<semaphore_mem>> -> memref<!tpu.dma_semaphore, #tpu.memory_space<semaphore_mem>>
      tpu.wait_indirect_dma semaphore(%dma_wait3A_158 : memref<!tpu.dma_semaphore, #tpu.memory_space<semaphore_mem>>) src(%dma_wait3A_156 : memref<10000x128xf32, #tpu.memory_space<hbm>>) dst(%arg17 : memref<80x128xf32, #tpu.memory_space<vmem>>)
      "tpu.region"() ({
        %run_scoped3A = tpu.sem_alloc : memref<!tpu.dma_semaphore, #tpu.memory_space<semaphore_mem>>
        %dma_start3A_228 = arith.constant 0 : i32
        %dma_start3A_229 = arith.constant 0 : i32
        %dma_start3A_230 = tpu.memref_slice %arg7[%dma_start3A_228, %dma_start3A_229] : memref<10240x128xf32, #tpu.memory_space<vmem_shared>> -> memref<10240x128xf32, #tpu.memory_space<vmem_shared>>
        tpu.enqueue_indirect_dma source(%arg17 : memref<80x128xf32, #tpu.memory_space<vmem>>) target(%dma_start3A_230 : memref<10240x128xf32, #tpu.memory_space<vmem_shared>>) offsets(%arg13 : memref<80xi32, #tpu.memory_space<vmem>>) semaphore(%run_scoped3A : memref<!tpu.dma_semaphore, #tpu.memory_space<semaphore_mem>>) {add = true}
        %dma_wait3A_231 = arith.constant 0 : i32
        %dma_wait3A_232 = arith.constant 0 : i32
        %dma_wait3A_233 = tpu.memref_slice %arg7[%dma_wait3A_231, %dma_wait3A_232] : memref<10240x128xf32, #tpu.memory_space<vmem_shared>> -> memref<10240x128xf32, #tpu.memory_space<vmem_shared>>
        tpu.wait_indirect_dma semaphore(%run_scoped3A : memref<!tpu.dma_semaphore, #tpu.memory_space<semaphore_mem>>) src(%arg17 : memref<80x128xf32, #tpu.memory_space<vmem>>) dst(%dma_wait3A_233 : memref<10240x128xf32, #tpu.memory_space<vmem_shared>>)
        tpu.yield
      }) : () -> ()
      %add3A_159 = arith.constant 4 : i32
      %add3A_160 = arith.addi %add3A_149, %add3A_159 : i32
      %lt3A_161 = arith.constant 125 : i32
      %lt3A_162 = arith.cmpi slt, %add3A_160, %lt3A_161 : i32
      %convert_element_type3A_163 = arith.extui %lt3A_162 : i1 to i32
      %cond3A_164 = arith.constant 0 : i32
      %cond3A_165 = arith.cmpi ne, %convert_element_type3A_163, %cond3A_164 : i32
      scf.if %cond3A_165 {
        %add3A_228 = arith.constant 320 : i32
        %add3A_229 = arith.addi %add3A_152, %add3A_228 : i32
        %dma_start3A_230 = arith.constant 1 : i32
        %dma_start3A_231 = tpu.memref_slice %arg3[%add3A_229] : memref<320000xi32, #tpu.memory_space<hbm>> -> memref<80xi32, #tpu.memory_space<hbm>>
        %dma_start3A_232 = tpu.memref_slice %arg18[%dma_start3A_230] : memref<4x!tpu.dma_semaphore, #tpu.memory_space<semaphore_mem>> -> memref<1x!tpu.dma_semaphore, #tpu.memory_space<semaphore_mem>>
        %dma_start3A_233 = tpu.memref_squeeze %dma_start3A_232 : memref<1x!tpu.dma_semaphore, #tpu.memory_space<semaphore_mem>> -> memref<!tpu.dma_semaphore, #tpu.memory_space<semaphore_mem>>
        %dma_start3A_234 = tpu.memref_slice %arg3[%add3A_229] : memref<320000xi32, #tpu.memory_space<hbm>> -> memref<80xi32, #tpu.memory_space<hbm>>
        tpu.enqueue_dma source(%dma_start3A_234 : memref<80xi32, #tpu.memory_space<hbm>>) target(%arg9 : memref<80xi32, #tpu.memory_space<vmem>>) target_semaphore(%dma_start3A_233 : memref<!tpu.dma_semaphore, #tpu.memory_space<semaphore_mem>>)
        %add3A_235 = arith.constant 320 : i32
        %add3A_236 = arith.addi %add3A_152, %add3A_235 : i32
        %dma_start3A_237 = arith.constant 1 : i32
        %dma_start3A_238 = tpu.memref_slice %arg4[%add3A_236] : memref<320000xi32, #tpu.memory_space<hbm>> -> memref<80xi32, #tpu.memory_space<hbm>>
        %dma_start3A_239 = tpu.memref_slice %arg18[%dma_start3A_237] : memref<4x!tpu.dma_semaphore, #tpu.memory_space<semaphore_mem>> -> memref<1x!tpu.dma_semaphore, #tpu.memory_space<semaphore_mem>>
        %dma_start3A_240 = tpu.memref_squeeze %dma_start3A_239 : memref<1x!tpu.dma_semaphore, #tpu.memory_space<semaphore_mem>> -> memref<!tpu.dma_semaphore, #tpu.memory_space<semaphore_mem>>
        %dma_start3A_241 = tpu.memref_slice %arg4[%add3A_236] : memref<320000xi32, #tpu.memory_space<hbm>> -> memref<80xi32, #tpu.memory_space<hbm>>
        tpu.enqueue_dma source(%dma_start3A_241 : memref<80xi32, #tpu.memory_space<hbm>>) target(%arg13 : memref<80xi32, #tpu.memory_space<vmem>>) target_semaphore(%dma_start3A_240 : memref<!tpu.dma_semaphore, #tpu.memory_space<semaphore_mem>>)
      } else {
      }
      %add3A_166 = arith.constant 2 : i32
      %add3A_167 = arith.addi %add3A_149, %add3A_166 : i32
      %lt3A_168 = arith.constant 125 : i32
      %lt3A_169 = arith.cmpi slt, %add3A_167, %lt3A_168 : i32
      %convert_element_type3A_170 = arith.extui %lt3A_169 : i1 to i32
      %cond3A_171 = arith.constant 0 : i32
      %cond3A_172 = arith.cmpi ne, %convert_element_type3A_170, %cond3A_171 : i32
      scf.if %cond3A_172 {
        %add3A_228 = arith.constant 160 : i32
        %add3A_229 = arith.addi %add3A_152, %add3A_228 : i32
        %dma_wait3A_230 = arith.constant 3 : i32
        %dma_wait3A_231 = tpu.memref_slice %arg3[%add3A_229] : memref<320000xi32, #tpu.memory_space<hbm>> -> memref<80xi32, #tpu.memory_space<hbm>>
        %dma_wait3A_232 = tpu.memref_slice %arg18[%dma_wait3A_230] : memref<4x!tpu.dma_semaphore, #tpu.memory_space<semaphore_mem>> -> memref<1x!tpu.dma_semaphore, #tpu.memory_space<semaphore_mem>>
        %dma_wait3A_233 = tpu.memref_squeeze %dma_wait3A_232 : memref<1x!tpu.dma_semaphore, #tpu.memory_space<semaphore_mem>> -> memref<!tpu.dma_semaphore, #tpu.memory_space<semaphore_mem>>
        %dma_wait3A_234 = tpu.memref_slice %arg3[%add3A_229] : memref<320000xi32, #tpu.memory_space<hbm>> -> memref<80xi32, #tpu.memory_space<hbm>>
        tpu.wait_dma2 semaphore(%dma_wait3A_233 : memref<!tpu.dma_semaphore, #tpu.memory_space<semaphore_mem>>) src(%dma_wait3A_234 : memref<80xi32, #tpu.memory_space<hbm>>) dst(%arg11 : memref<80xi32, #tpu.memory_space<vmem>>)
        %add3A_235 = arith.constant 160 : i32
        %add3A_236 = arith.addi %add3A_152, %add3A_235 : i32
        %dma_wait3A_237 = arith.constant 3 : i32
        %dma_wait3A_238 = tpu.memref_slice %arg4[%add3A_236] : memref<320000xi32, #tpu.memory_space<hbm>> -> memref<80xi32, #tpu.memory_space<hbm>>
        %dma_wait3A_239 = tpu.memref_slice %arg18[%dma_wait3A_237] : memref<4x!tpu.dma_semaphore, #tpu.memory_space<semaphore_mem>> -> memref<1x!tpu.dma_semaphore, #tpu.memory_space<semaphore_mem>>
        %dma_wait3A_240 = tpu.memref_squeeze %dma_wait3A_239 : memref<1x!tpu.dma_semaphore, #tpu.memory_space<semaphore_mem>> -> memref<!tpu.dma_semaphore, #tpu.memory_space<semaphore_mem>>
        %dma_wait3A_241 = tpu.memref_slice %arg4[%add3A_236] : memref<320000xi32, #tpu.memory_space<hbm>> -> memref<80xi32, #tpu.memory_space<hbm>>
        tpu.wait_dma2 semaphore(%dma_wait3A_240 : memref<!tpu.dma_semaphore, #tpu.memory_space<semaphore_mem>>) src(%dma_wait3A_241 : memref<80xi32, #tpu.memory_space<hbm>>) dst(%arg15 : memref<80xi32, #tpu.memory_space<vmem>>)
        %dma_start3A_242 = arith.constant 1 : i32
        %dma_start3A_243 = arith.constant 0 : i32
        %dma_start3A_244 = arith.constant 0 : i32
        %dma_start3A_245 = tpu.memref_slice %arg2[%dma_start3A_243, %dma_start3A_244] : memref<10000x128xf32, #tpu.memory_space<hbm>> -> memref<10000x128xf32, #tpu.memory_space<hbm>>
        %dma_start3A_246 = tpu.memref_slice %arg19[%dma_start3A_242] : memref<2x!tpu.dma_semaphore, #tpu.memory_space<semaphore_mem>> -> memref<1x!tpu.dma_semaphore, #tpu.memory_space<semaphore_mem>>
        %dma_start3A_247 = tpu.memref_squeeze %dma_start3A_246 : memref<1x!tpu.dma_semaphore, #tpu.memory_space<semaphore_mem>> -> memref<!tpu.dma_semaphore, #tpu.memory_space<semaphore_mem>>
        tpu.enqueue_indirect_dma source(%dma_start3A_245 : memref<10000x128xf32, #tpu.memory_space<hbm>>) target(%arg17 : memref<80x128xf32, #tpu.memory_space<vmem>>) offsets(%arg11 : memref<80xi32, #tpu.memory_space<vmem>>) semaphore(%dma_start3A_247 : memref<!tpu.dma_semaphore, #tpu.memory_space<semaphore_mem>>)
      } else {
      }
      %mul3A_173 = arith.constant 4 : i32
      %mul3A_174 = arith.muli %mul3A_173, %scan3A_120 : i32
      %add3A_175 = arith.constant 2 : i32
      %add3A_176 = arith.addi %mul3A_174, %add3A_175 : i32
      %mul3A_177 = arith.constant 80 : i32
      %mul3A_178 = arith.muli %add3A_176, %mul3A_177 : i32
      %add3A_179 = arith.addi %mul3A_4, %mul3A_178 : i32
      %dma_wait3A_180 = arith.constant 0 : i32
      %dma_wait3A_181 = arith.constant 0 : i32
      %dma_wait3A_182 = arith.constant 0 : i32
      %dma_wait3A_183 = tpu.memref_slice %arg2[%dma_wait3A_181, %dma_wait3A_182] : memref<10000x128xf32, #tpu.memory_space<hbm>> -> memref<10000x128xf32, #tpu.memory_space<hbm>>
      %dma_wait3A_184 = tpu.memref_slice %arg19[%dma_wait3A_180] : memref<2x!tpu.dma_semaphore, #tpu.memory_space<semaphore_mem>> -> memref<1x!tpu.dma_semaphore, #tpu.memory_space<semaphore_mem>>
      %dma_wait3A_185 = tpu.memref_squeeze %dma_wait3A_184 : memref<1x!tpu.dma_semaphore, #tpu.memory_space<semaphore_mem>> -> memref<!tpu.dma_semaphore, #tpu.memory_space<semaphore_mem>>
      tpu.wait_indirect_dma semaphore(%dma_wait3A_185 : memref<!tpu.dma_semaphore, #tpu.memory_space<semaphore_mem>>) src(%dma_wait3A_183 : memref<10000x128xf32, #tpu.memory_space<hbm>>) dst(%arg16 : memref<80x128xf32, #tpu.memory_space<vmem>>)
      "tpu.region"() ({
        %run_scoped3A = tpu.sem_alloc : memref<!tpu.dma_semaphore, #tpu.memory_space<semaphore_mem>>
        %dma_start3A_228 = arith.constant 0 : i32
        %dma_start3A_229 = arith.constant 0 : i32
        %dma_start3A_230 = tpu.memref_slice %arg7[%dma_start3A_228, %dma_start3A_229] : memref<10240x128xf32, #tpu.memory_space<vmem_shared>> -> memref<10240x128xf32, #tpu.memory_space<vmem_shared>>
        tpu.enqueue_indirect_dma source(%arg16 : memref<80x128xf32, #tpu.memory_space<vmem>>) target(%dma_start3A_230 : memref<10240x128xf32, #tpu.memory_space<vmem_shared>>) offsets(%arg14 : memref<80xi32, #tpu.memory_space<vmem>>) semaphore(%run_scoped3A : memref<!tpu.dma_semaphore, #tpu.memory_space<semaphore_mem>>) {add = true}
        %dma_wait3A_231 = arith.constant 0 : i32
        %dma_wait3A_232 = arith.constant 0 : i32
        %dma_wait3A_233 = tpu.memref_slice %arg7[%dma_wait3A_231, %dma_wait3A_232] : memref<10240x128xf32, #tpu.memory_space<vmem_shared>> -> memref<10240x128xf32, #tpu.memory_space<vmem_shared>>
        tpu.wait_indirect_dma semaphore(%run_scoped3A : memref<!tpu.dma_semaphore, #tpu.memory_space<semaphore_mem>>) src(%arg16 : memref<80x128xf32, #tpu.memory_space<vmem>>) dst(%dma_wait3A_233 : memref<10240x128xf32, #tpu.memory_space<vmem_shared>>)
        tpu.yield
      }) : () -> ()
      %add3A_186 = arith.constant 4 : i32
      %add3A_187 = arith.addi %add3A_176, %add3A_186 : i32
      %lt3A_188 = arith.constant 125 : i32
      %lt3A_189 = arith.cmpi slt, %add3A_187, %lt3A_188 : i32
      %convert_element_type3A_190 = arith.extui %lt3A_189 : i1 to i32
      %cond3A_191 = arith.constant 0 : i32
      %cond3A_192 = arith.cmpi ne, %convert_element_type3A_190, %cond3A_191 : i32
      scf.if %cond3A_192 {
        %add3A_228 = arith.constant 320 : i32
        %add3A_229 = arith.addi %add3A_179, %add3A_228 : i32
        %dma_start3A_230 = arith.constant 2 : i32
        %dma_start3A_231 = tpu.memref_slice %arg3[%add3A_229] : memref<320000xi32, #tpu.memory_space<hbm>> -> memref<80xi32, #tpu.memory_space<hbm>>
        %dma_start3A_232 = tpu.memref_slice %arg18[%dma_start3A_230] : memref<4x!tpu.dma_semaphore, #tpu.memory_space<semaphore_mem>> -> memref<1x!tpu.dma_semaphore, #tpu.memory_space<semaphore_mem>>
        %dma_start3A_233 = tpu.memref_squeeze %dma_start3A_232 : memref<1x!tpu.dma_semaphore, #tpu.memory_space<semaphore_mem>> -> memref<!tpu.dma_semaphore, #tpu.memory_space<semaphore_mem>>
        %dma_start3A_234 = tpu.memref_slice %arg3[%add3A_229] : memref<320000xi32, #tpu.memory_space<hbm>> -> memref<80xi32, #tpu.memory_space<hbm>>
        tpu.enqueue_dma source(%dma_start3A_234 : memref<80xi32, #tpu.memory_space<hbm>>) target(%arg10 : memref<80xi32, #tpu.memory_space<vmem>>) target_semaphore(%dma_start3A_233 : memref<!tpu.dma_semaphore, #tpu.memory_space<semaphore_mem>>)
        %add3A_235 = arith.constant 320 : i32
        %add3A_236 = arith.addi %add3A_179, %add3A_235 : i32
        %dma_start3A_237 = arith.constant 2 : i32
        %dma_start3A_238 = tpu.memref_slice %arg4[%add3A_236] : memref<320000xi32, #tpu.memory_space<hbm>> -> memref<80xi32, #tpu.memory_space<hbm>>
        %dma_start3A_239 = tpu.memref_slice %arg18[%dma_start3A_237] : memref<4x!tpu.dma_semaphore, #tpu.memory_space<semaphore_mem>> -> memref<1x!tpu.dma_semaphore, #tpu.memory_space<semaphore_mem>>
        %dma_start3A_240 = tpu.memref_squeeze %dma_start3A_239 : memref<1x!tpu.dma_semaphore, #tpu.memory_space<semaphore_mem>> -> memref<!tpu.dma_semaphore, #tpu.memory_space<semaphore_mem>>
        %dma_start3A_241 = tpu.memref_slice %arg4[%add3A_236] : memref<320000xi32, #tpu.memory_space<hbm>> -> memref<80xi32, #tpu.memory_space<hbm>>
        tpu.enqueue_dma source(%dma_start3A_241 : memref<80xi32, #tpu.memory_space<hbm>>) target(%arg14 : memref<80xi32, #tpu.memory_space<vmem>>) target_semaphore(%dma_start3A_240 : memref<!tpu.dma_semaphore, #tpu.memory_space<semaphore_mem>>)
      } else {
      }
      %add3A_193 = arith.constant 2 : i32
      %add3A_194 = arith.addi %add3A_176, %add3A_193 : i32
      %lt3A_195 = arith.constant 125 : i32
      %lt3A_196 = arith.cmpi slt, %add3A_194, %lt3A_195 : i32
      %convert_element_type3A_197 = arith.extui %lt3A_196 : i1 to i32
      %cond3A_198 = arith.constant 0 : i32
      %cond3A_199 = arith.cmpi ne, %convert_element_type3A_197, %cond3A_198 : i32
      scf.if %cond3A_199 {
        %add3A_228 = arith.constant 160 : i32
        %add3A_229 = arith.addi %add3A_179, %add3A_228 : i32
        %dma_wait3A_230 = arith.constant 0 : i32
        %dma_wait3A_231 = tpu.memref_slice %arg3[%add3A_229] : memref<320000xi32, #tpu.memory_space<hbm>> -> memref<80xi32, #tpu.memory_space<hbm>>
        %dma_wait3A_232 = tpu.memref_slice %arg18[%dma_wait3A_230] : memref<4x!tpu.dma_semaphore, #tpu.memory_space<semaphore_mem>> -> memref<1x!tpu.dma_semaphore, #tpu.memory_space<semaphore_mem>>
        %dma_wait3A_233 = tpu.memref_squeeze %dma_wait3A_232 : memref<1x!tpu.dma_semaphore, #tpu.memory_space<semaphore_mem>> -> memref<!tpu.dma_semaphore, #tpu.memory_space<semaphore_mem>>
        %dma_wait3A_234 = tpu.memref_slice %arg3[%add3A_229] : memref<320000xi32, #tpu.memory_space<hbm>> -> memref<80xi32, #tpu.memory_space<hbm>>
        tpu.wait_dma2 semaphore(%dma_wait3A_233 : memref<!tpu.dma_semaphore, #tpu.memory_space<semaphore_mem>>) src(%dma_wait3A_234 : memref<80xi32, #tpu.memory_space<hbm>>) dst(%arg8 : memref<80xi32, #tpu.memory_space<vmem>>)
        %add3A_235 = arith.constant 160 : i32
        %add3A_236 = arith.addi %add3A_179, %add3A_235 : i32
        %dma_wait3A_237 = arith.constant 0 : i32
        %dma_wait3A_238 = tpu.memref_slice %arg4[%add3A_236] : memref<320000xi32, #tpu.memory_space<hbm>> -> memref<80xi32, #tpu.memory_space<hbm>>
        %dma_wait3A_239 = tpu.memref_slice %arg18[%dma_wait3A_237] : memref<4x!tpu.dma_semaphore, #tpu.memory_space<semaphore_mem>> -> memref<1x!tpu.dma_semaphore, #tpu.memory_space<semaphore_mem>>
        %dma_wait3A_240 = tpu.memref_squeeze %dma_wait3A_239 : memref<1x!tpu.dma_semaphore, #tpu.memory_space<semaphore_mem>> -> memref<!tpu.dma_semaphore, #tpu.memory_space<semaphore_mem>>
        %dma_wait3A_241 = tpu.memref_slice %arg4[%add3A_236] : memref<320000xi32, #tpu.memory_space<hbm>> -> memref<80xi32, #tpu.memory_space<hbm>>
        tpu.wait_dma2 semaphore(%dma_wait3A_240 : memref<!tpu.dma_semaphore, #tpu.memory_space<semaphore_mem>>) src(%dma_wait3A_241 : memref<80xi32, #tpu.memory_space<hbm>>) dst(%arg12 : memref<80xi32, #tpu.memory_space<vmem>>)
        %dma_start3A_242 = arith.constant 0 : i32
        %dma_start3A_243 = arith.constant 0 : i32
        %dma_start3A_244 = arith.constant 0 : i32
        %dma_start3A_245 = tpu.memref_slice %arg2[%dma_start3A_243, %dma_start3A_244] : memref<10000x128xf32, #tpu.memory_space<hbm>> -> memref<10000x128xf32, #tpu.memory_space<hbm>>
        %dma_start3A_246 = tpu.memref_slice %arg19[%dma_start3A_242] : memref<2x!tpu.dma_semaphore, #tpu.memory_space<semaphore_mem>> -> memref<1x!tpu.dma_semaphore, #tpu.memory_space<semaphore_mem>>
        %dma_start3A_247 = tpu.memref_squeeze %dma_start3A_246 : memref<1x!tpu.dma_semaphore, #tpu.memory_space<semaphore_mem>> -> memref<!tpu.dma_semaphore, #tpu.memory_space<semaphore_mem>>
        tpu.enqueue_indirect_dma source(%dma_start3A_245 : memref<10000x128xf32, #tpu.memory_space<hbm>>) target(%arg16 : memref<80x128xf32, #tpu.memory_space<vmem>>) offsets(%arg8 : memref<80xi32, #tpu.memory_space<vmem>>) semaphore(%dma_start3A_247 : memref<!tpu.dma_semaphore, #tpu.memory_space<semaphore_mem>>)
      } else {
      }
      %mul3A_200 = arith.constant 4 : i32
      %mul3A_201 = arith.muli %mul3A_200, %scan3A_120 : i32
      %add3A_202 = arith.constant 3 : i32
      %add3A_203 = arith.addi %mul3A_201, %add3A_202 : i32
      %mul3A_204 = arith.constant 80 : i32
      %mul3A_205 = arith.muli %add3A_203, %mul3A_204 : i32
      %add3A_206 = arith.addi %mul3A_4, %mul3A_205 : i32
      %dma_wait3A_207 = arith.constant 1 : i32
      %dma_wait3A_208 = arith.constant 0 : i32
      %dma_wait3A_209 = arith.constant 0 : i32
      %dma_wait3A_210 = tpu.memref_slice %arg2[%dma_wait3A_208, %dma_wait3A_209] : memref<10000x128xf32, #tpu.memory_space<hbm>> -> memref<10000x128xf32, #tpu.memory_space<hbm>>
      %dma_wait3A_211 = tpu.memref_slice %arg19[%dma_wait3A_207] : memref<2x!tpu.dma_semaphore, #tpu.memory_space<semaphore_mem>> -> memref<1x!tpu.dma_semaphore, #tpu.memory_space<semaphore_mem>>
      %dma_wait3A_212 = tpu.memref_squeeze %dma_wait3A_211 : memref<1x!tpu.dma_semaphore, #tpu.memory_space<semaphore_mem>> -> memref<!tpu.dma_semaphore, #tpu.memory_space<semaphore_mem>>
      tpu.wait_indirect_dma semaphore(%dma_wait3A_212 : memref<!tpu.dma_semaphore, #tpu.memory_space<semaphore_mem>>) src(%dma_wait3A_210 : memref<10000x128xf32, #tpu.memory_space<hbm>>) dst(%arg17 : memref<80x128xf32, #tpu.memory_space<vmem>>)
      "tpu.region"() ({
        %run_scoped3A = tpu.sem_alloc : memref<!tpu.dma_semaphore, #tpu.memory_space<semaphore_mem>>
        %dma_start3A_228 = arith.constant 0 : i32
        %dma_start3A_229 = arith.constant 0 : i32
        %dma_start3A_230 = tpu.memref_slice %arg7[%dma_start3A_228, %dma_start3A_229] : memref<10240x128xf32, #tpu.memory_space<vmem_shared>> -> memref<10240x128xf32, #tpu.memory_space<vmem_shared>>
        tpu.enqueue_indirect_dma source(%arg17 : memref<80x128xf32, #tpu.memory_space<vmem>>) target(%dma_start3A_230 : memref<10240x128xf32, #tpu.memory_space<vmem_shared>>) offsets(%arg15 : memref<80xi32, #tpu.memory_space<vmem>>) semaphore(%run_scoped3A : memref<!tpu.dma_semaphore, #tpu.memory_space<semaphore_mem>>) {add = true}
        %dma_wait3A_231 = arith.constant 0 : i32
        %dma_wait3A_232 = arith.constant 0 : i32
        %dma_wait3A_233 = tpu.memref_slice %arg7[%dma_wait3A_231, %dma_wait3A_232] : memref<10240x128xf32, #tpu.memory_space<vmem_shared>> -> memref<10240x128xf32, #tpu.memory_space<vmem_shared>>
        tpu.wait_indirect_dma semaphore(%run_scoped3A : memref<!tpu.dma_semaphore, #tpu.memory_space<semaphore_mem>>) src(%arg17 : memref<80x128xf32, #tpu.memory_space<vmem>>) dst(%dma_wait3A_233 : memref<10240x128xf32, #tpu.memory_space<vmem_shared>>)
        tpu.yield
      }) : () -> ()
      %add3A_213 = arith.constant 4 : i32
      %add3A_214 = arith.addi %add3A_203, %add3A_213 : i32
      %lt3A_215 = arith.constant 125 : i32
      %lt3A_216 = arith.cmpi slt, %add3A_214, %lt3A_215 : i32
      %convert_element_type3A_217 = arith.extui %lt3A_216 : i1 to i32
      %cond3A_218 = arith.constant 0 : i32
      %cond3A_219 = arith.cmpi ne, %convert_element_type3A_217, %cond3A_218 : i32
      scf.if %cond3A_219 {
        %add3A_228 = arith.constant 320 : i32
        %add3A_229 = arith.addi %add3A_206, %add3A_228 : i32
        %dma_start3A_230 = arith.constant 3 : i32
        %dma_start3A_231 = tpu.memref_slice %arg3[%add3A_229] : memref<320000xi32, #tpu.memory_space<hbm>> -> memref<80xi32, #tpu.memory_space<hbm>>
        %dma_start3A_232 = tpu.memref_slice %arg18[%dma_start3A_230] : memref<4x!tpu.dma_semaphore, #tpu.memory_space<semaphore_mem>> -> memref<1x!tpu.dma_semaphore, #tpu.memory_space<semaphore_mem>>
        %dma_start3A_233 = tpu.memref_squeeze %dma_start3A_232 : memref<1x!tpu.dma_semaphore, #tpu.memory_space<semaphore_mem>> -> memref<!tpu.dma_semaphore, #tpu.memory_space<semaphore_mem>>
        %dma_start3A_234 = tpu.memref_slice %arg3[%add3A_229] : memref<320000xi32, #tpu.memory_space<hbm>> -> memref<80xi32, #tpu.memory_space<hbm>>
        tpu.enqueue_dma source(%dma_start3A_234 : memref<80xi32, #tpu.memory_space<hbm>>) target(%arg11 : memref<80xi32, #tpu.memory_space<vmem>>) target_semaphore(%dma_start3A_233 : memref<!tpu.dma_semaphore, #tpu.memory_space<semaphore_mem>>)
        %add3A_235 = arith.constant 320 : i32
        %add3A_236 = arith.addi %add3A_206, %add3A_235 : i32
        %dma_start3A_237 = arith.constant 3 : i32
        %dma_start3A_238 = tpu.memref_slice %arg4[%add3A_236] : memref<320000xi32, #tpu.memory_space<hbm>> -> memref<80xi32, #tpu.memory_space<hbm>>
        %dma_start3A_239 = tpu.memref_slice %arg18[%dma_start3A_237] : memref<4x!tpu.dma_semaphore, #tpu.memory_space<semaphore_mem>> -> memref<1x!tpu.dma_semaphore, #tpu.memory_space<semaphore_mem>>
        %dma_start3A_240 = tpu.memref_squeeze %dma_start3A_239 : memref<1x!tpu.dma_semaphore, #tpu.memory_space<semaphore_mem>> -> memref<!tpu.dma_semaphore, #tpu.memory_space<semaphore_mem>>
        %dma_start3A_241 = tpu.memref_slice %arg4[%add3A_236] : memref<320000xi32, #tpu.memory_space<hbm>> -> memref<80xi32, #tpu.memory_space<hbm>>
        tpu.enqueue_dma source(%dma_start3A_241 : memref<80xi32, #tpu.memory_space<hbm>>) target(%arg15 : memref<80xi32, #tpu.memory_space<vmem>>) target_semaphore(%dma_start3A_240 : memref<!tpu.dma_semaphore, #tpu.memory_space<semaphore_mem>>)
      } else {
      }
      %add3A_220 = arith.constant 2 : i32
      %add3A_221 = arith.addi %add3A_203, %add3A_220 : i32
      %lt3A_222 = arith.constant 125 : i32
      %lt3A_223 = arith.cmpi slt, %add3A_221, %lt3A_222 : i32
      %convert_element_type3A_224 = arith.extui %lt3A_223 : i1 to i32
      %cond3A_225 = arith.constant 0 : i32
      %cond3A_226 = arith.cmpi ne, %convert_element_type3A_224, %cond3A_225 : i32
      scf.if %cond3A_226 {
        %add3A_228 = arith.constant 160 : i32
        %add3A_229 = arith.addi %add3A_206, %add3A_228 : i32
        %dma_wait3A_230 = arith.constant 1 : i32
        %dma_wait3A_231 = tpu.memref_slice %arg3[%add3A_229] : memref<320000xi32, #tpu.memory_space<hbm>> -> memref<80xi32, #tpu.memory_space<hbm>>
        %dma_wait3A_232 = tpu.memref_slice %arg18[%dma_wait3A_230] : memref<4x!tpu.dma_semaphore, #tpu.memory_space<semaphore_mem>> -> memref<1x!tpu.dma_semaphore, #tpu.memory_space<semaphore_mem>>
        %dma_wait3A_233 = tpu.memref_squeeze %dma_wait3A_232 : memref<1x!tpu.dma_semaphore, #tpu.memory_space<semaphore_mem>> -> memref<!tpu.dma_semaphore, #tpu.memory_space<semaphore_mem>>
        %dma_wait3A_234 = tpu.memref_slice %arg3[%add3A_229] : memref<320000xi32, #tpu.memory_space<hbm>> -> memref<80xi32, #tpu.memory_space<hbm>>
        tpu.wait_dma2 semaphore(%dma_wait3A_233 : memref<!tpu.dma_semaphore, #tpu.memory_space<semaphore_mem>>) src(%dma_wait3A_234 : memref<80xi32, #tpu.memory_space<hbm>>) dst(%arg9 : memref<80xi32, #tpu.memory_space<vmem>>)
        %add3A_235 = arith.constant 160 : i32
        %add3A_236 = arith.addi %add3A_206, %add3A_235 : i32
        %dma_wait3A_237 = arith.constant 1 : i32
        %dma_wait3A_238 = tpu.memref_slice %arg4[%add3A_236] : memref<320000xi32, #tpu.memory_space<hbm>> -> memref<80xi32, #tpu.memory_space<hbm>>
        %dma_wait3A_239 = tpu.memref_slice %arg18[%dma_wait3A_237] : memref<4x!tpu.dma_semaphore, #tpu.memory_space<semaphore_mem>> -> memref<1x!tpu.dma_semaphore, #tpu.memory_space<semaphore_mem>>
        %dma_wait3A_240 = tpu.memref_squeeze %dma_wait3A_239 : memref<1x!tpu.dma_semaphore, #tpu.memory_space<semaphore_mem>> -> memref<!tpu.dma_semaphore, #tpu.memory_space<semaphore_mem>>
        %dma_wait3A_241 = tpu.memref_slice %arg4[%add3A_236] : memref<320000xi32, #tpu.memory_space<hbm>> -> memref<80xi32, #tpu.memory_space<hbm>>
        tpu.wait_dma2 semaphore(%dma_wait3A_240 : memref<!tpu.dma_semaphore, #tpu.memory_space<semaphore_mem>>) src(%dma_wait3A_241 : memref<80xi32, #tpu.memory_space<hbm>>) dst(%arg13 : memref<80xi32, #tpu.memory_space<vmem>>)
        %dma_start3A_242 = arith.constant 1 : i32
        %dma_start3A_243 = arith.constant 0 : i32
        %dma_start3A_244 = arith.constant 0 : i32
        %dma_start3A_245 = tpu.memref_slice %arg2[%dma_start3A_243, %dma_start3A_244] : memref<10000x128xf32, #tpu.memory_space<hbm>> -> memref<10000x128xf32, #tpu.memory_space<hbm>>
        %dma_start3A_246 = tpu.memref_slice %arg19[%dma_start3A_242] : memref<2x!tpu.dma_semaphore, #tpu.memory_space<semaphore_mem>> -> memref<1x!tpu.dma_semaphore, #tpu.memory_space<semaphore_mem>>
        %dma_start3A_247 = tpu.memref_squeeze %dma_start3A_246 : memref<1x!tpu.dma_semaphore, #tpu.memory_space<semaphore_mem>> -> memref<!tpu.dma_semaphore, #tpu.memory_space<semaphore_mem>>
        tpu.enqueue_indirect_dma source(%dma_start3A_245 : memref<10000x128xf32, #tpu.memory_space<hbm>>) target(%arg17 : memref<80x128xf32, #tpu.memory_space<vmem>>) offsets(%arg9 : memref<80xi32, #tpu.memory_space<vmem>>) semaphore(%dma_start3A_247 : memref<!tpu.dma_semaphore, #tpu.memory_space<semaphore_mem>>)
      } else {
      }
      %scan3A_227 = arith.constant 0 : i32
      scf.yield %scan3A_227 : i32
    }
    %scan3A_106 = arith.constant 31 : i32
    %add3A_107 = arith.constant 9920 : i32
    %add3A_108 = arith.addi %mul3A_4, %add3A_107 : i32
    %dma_wait3A_109 = arith.constant 0 : i32
    %dma_wait3A_110 = arith.constant 0 : i32
    %dma_wait3A_111 = arith.constant 0 : i32
    %dma_wait3A_112 = tpu.memref_slice %arg2[%dma_wait3A_110, %dma_wait3A_111] : memref<10000x128xf32, #tpu.memory_space<hbm>> -> memref<10000x128xf32, #tpu.memory_space<hbm>>
    %dma_wait3A_113 = tpu.memref_slice %arg19[%dma_wait3A_109] : memref<2x!tpu.dma_semaphore, #tpu.memory_space<semaphore_mem>> -> memref<1x!tpu.dma_semaphore, #tpu.memory_space<semaphore_mem>>
    %dma_wait3A_114 = tpu.memref_squeeze %dma_wait3A_113 : memref<1x!tpu.dma_semaphore, #tpu.memory_space<semaphore_mem>> -> memref<!tpu.dma_semaphore, #tpu.memory_space<semaphore_mem>>
    tpu.wait_indirect_dma semaphore(%dma_wait3A_114 : memref<!tpu.dma_semaphore, #tpu.memory_space<semaphore_mem>>) src(%dma_wait3A_112 : memref<10000x128xf32, #tpu.memory_space<hbm>>) dst(%arg16 : memref<80x128xf32, #tpu.memory_space<vmem>>)
    "tpu.region"() ({
      %run_scoped3A = tpu.sem_alloc : memref<!tpu.dma_semaphore, #tpu.memory_space<semaphore_mem>>
      %dma_start3A_120 = arith.constant 0 : i32
      %dma_start3A_121 = arith.constant 0 : i32
      %dma_start3A_122 = tpu.memref_slice %arg7[%dma_start3A_120, %dma_start3A_121] : memref<10240x128xf32, #tpu.memory_space<vmem_shared>> -> memref<10240x128xf32, #tpu.memory_space<vmem_shared>>
      tpu.enqueue_indirect_dma source(%arg16 : memref<80x128xf32, #tpu.memory_space<vmem>>) target(%dma_start3A_122 : memref<10240x128xf32, #tpu.memory_space<vmem_shared>>) offsets(%arg12 : memref<80xi32, #tpu.memory_space<vmem>>) semaphore(%run_scoped3A : memref<!tpu.dma_semaphore, #tpu.memory_space<semaphore_mem>>) {add = true}
      %dma_wait3A_123 = arith.constant 0 : i32
      %dma_wait3A_124 = arith.constant 0 : i32
      %dma_wait3A_125 = tpu.memref_slice %arg7[%dma_wait3A_123, %dma_wait3A_124] : memref<10240x128xf32, #tpu.memory_space<vmem_shared>> -> memref<10240x128xf32, #tpu.memory_space<vmem_shared>>
      tpu.wait_indirect_dma semaphore(%run_scoped3A : memref<!tpu.dma_semaphore, #tpu.memory_space<semaphore_mem>>) src(%arg16 : memref<80x128xf32, #tpu.memory_space<vmem>>) dst(%dma_wait3A_125 : memref<10240x128xf32, #tpu.memory_space<vmem_shared>>)
      tpu.yield
    }) : () -> ()
    %barrier3A_115 = arith.constant 0 : index
    tpu.barrier barrier_id(%barrier3A_115)
    %mul3A_116 = arith.constant 640 : i32
    %mul3A_117 = arith.muli %arg1, %mul3A_116 : i32
    %mul3A_118 = arith.constant 640 : i32
    %mul3A_119 = arith.muli %arg1, %mul3A_118 : i32
    "tpu.region"() ({
      %run_scoped3A = tpu.sem_alloc : memref<!tpu.dma_semaphore, #tpu.memory_space<semaphore_mem>>
      %dma_start3A_120 = arith.constant 0 : i32
      %dma_start3A_121 = tpu.memref_slice %arg6[%arg0, %mul3A_119, %dma_start3A_120] : memref<2x10240x128xf32, #tpu.memory_space<hbm>> -> memref<1x640x128xf32, #tpu.memory_space<hbm>>
      %dma_start3A_122 = tpu.memref_squeeze %dma_start3A_121 : memref<1x640x128xf32, #tpu.memory_space<hbm>> -> memref<640x128xf32, #tpu.memory_space<hbm>>
      %dma_start3A_123 = arith.constant 0 : i32
      %dma_start3A_124 = tpu.memref_slice %arg7[%mul3A_117, %dma_start3A_123] : memref<10240x128xf32, #tpu.memory_space<vmem_shared>> -> memref<640x128xf32, #tpu.memory_space<vmem_shared>>
      tpu.enqueue_dma source(%dma_start3A_124 : memref<640x128xf32, #tpu.memory_space<vmem_shared>>) target(%dma_start3A_122 : memref<640x128xf32, #tpu.memory_space<hbm>>) target_semaphore(%run_scoped3A : memref<!tpu.dma_semaphore, #tpu.memory_space<semaphore_mem>>)
      %dma_wait3A_125 = arith.constant 0 : i32
      %dma_wait3A_126 = tpu.memref_slice %arg6[%arg0, %mul3A_119, %dma_wait3A_125] : memref<2x10240x128xf32, #tpu.memory_space<hbm>> -> memref<1x640x128xf32, #tpu.memory_space<hbm>>
      %dma_wait3A_127 = tpu.memref_squeeze %dma_wait3A_126 : memref<1x640x128xf32, #tpu.memory_space<hbm>> -> memref<640x128xf32, #tpu.memory_space<hbm>>
      %dma_wait3A_128 = arith.constant 0 : i32
      %dma_wait3A_129 = tpu.memref_slice %arg7[%mul3A_117, %dma_wait3A_128] : memref<10240x128xf32, #tpu.memory_space<vmem_shared>> -> memref<640x128xf32, #tpu.memory_space<vmem_shared>>
      tpu.wait_dma2 semaphore(%run_scoped3A : memref<!tpu.dma_semaphore, #tpu.memory_space<semaphore_mem>>) src(%dma_wait3A_129 : memref<640x128xf32, #tpu.memory_space<vmem_shared>>) dst(%dma_wait3A_127 : memref<640x128xf32, #tpu.memory_space<hbm>>)
      tpu.yield
    }) : () -> ()
    return
  }
}

module attributes {stable_mosaic.version = 14 : i64} {
  func.func @_tc_layer_body(%arg0: i32, %arg1: memref<2x2048x128xf32, #tpu.memory_space<vmem>>, %arg2: memref<128x128xf32, #tpu.memory_space<vmem>>, %arg3: memref<1x128xf32, #tpu.memory_space<vmem>>, %arg4: memref<2048x128xf32, #tpu.memory_space<vmem>>) attributes {dimension_semantics = [#tpu.dimension_semantics<arbitrary>], iteration_bounds = array<i64: 5>, scalar_prefetch = 0 : i64, scratch_operands = 0 : i64, tpu.core_type = #tpu.core_type<tc>, window_params = [{transform_indices = @transform_0, window_bounds = array<i64: 2, 2048, 128>}, {pipeline_mode = #tpu.pipeline_mode<synchronous>, transform_indices = @transform_1, window_bounds = array<i64: 128, 128>}, {pipeline_mode = #tpu.pipeline_mode<synchronous>, transform_indices = @transform_2, window_bounds = array<i64: 1, 128>}, {transform_indices = @transform_3, window_bounds = array<i64: 2048, 128>}]} {
    %get3A = arith.constant 0 : index
    %get3A_0 = arith.constant 0 : index
    %get3A_1 = arith.constant 0 : index
    %get3A_2 = vector.load %arg1[%get3A, %get3A_0, %get3A_1] : memref<2x2048x128xf32, #tpu.memory_space<vmem>>, vector<1x2048x128xf32>
    %get3A_3 = vector.shape_cast %get3A_2 : vector<1x2048x128xf32> to vector<2048x128xf32>
    %get3A_4 = arith.constant 1 : index
    %get3A_5 = arith.constant 0 : index
    %get3A_6 = arith.constant 0 : index
    %get3A_7 = vector.load %arg1[%get3A_4, %get3A_5, %get3A_6] : memref<2x2048x128xf32, #tpu.memory_space<vmem>>, vector<1x2048x128xf32>
    %get3A_8 = vector.shape_cast %get3A_7 : vector<1x2048x128xf32> to vector<2048x128xf32>
    %add3A = arith.addf %get3A_3, %get3A_8 : vector<2048x128xf32>
    %get3A_9 = arith.constant 0 : index
    %get3A_10 = arith.constant 0 : index
    %get3A_11 = vector.load %arg2[%get3A_9, %get3A_10] : memref<128x128xf32, #tpu.memory_space<vmem>>, vector<128x128xf32>
    %dot_general3A = arith.constant dense<0.000000e+00> : vector<2048x128xf32>
    %dot_general3A_12 = tpu.matmul %add3A, %get3A_11, %dot_general3A {dimension_numbers = #tpu.dot_dimension_numbers<[1], [0], [0], [1], [0, 0, 1, 1], [], []>, transpose_lhs_hint = false} : vector<2048x128xf32>, vector<128x128xf32>, vector<2048x128xf32> -> vector<2048x128xf32>
    %get3A_13 = arith.constant 0 : index
    %get3A_14 = arith.constant 0 : index
    %get3A_15 = vector.load %arg3[%get3A_13, %get3A_14] : memref<1x128xf32, #tpu.memory_space<vmem>>, vector<1x128xf32>
    %add3A_16 = vector.broadcast %get3A_15 : vector<1x128xf32> to vector<2048x128xf32>
    %add3A_17 = arith.addf %dot_general3A_12, %add3A_16 : vector<2048x128xf32>
    %mul3A = arith.constant 2.000000e-01 : f32
    %mul3A_18 = vector.broadcast %mul3A : f32 to vector<2048x128xf32>
    %mul3A_19 = arith.mulf %mul3A_18, %add3A_17 : vector<2048x128xf32>
    %max3A = arith.maximumf %add3A_17, %mul3A_19 : vector<2048x128xf32>
    %swap3A = arith.constant 0 : index
    %swap3A_20 = arith.constant 0 : index
    %swap3A_21 = vector.load %arg4[%swap3A, %swap3A_20] : memref<2048x128xf32, #tpu.memory_space<vmem>>, vector<2048x128xf32>
    tpu.vector_store %arg4[%swap3A, %swap3A_20], %max3A {strides = array<i32>} : memref<2048x128xf32, #tpu.memory_space<vmem>>, vector<2048x128xf32>,
    return
  }
  func.func @transform_0(%arg0: i32) -> (i32, i32, i32) {
    %c0_i32 = arith.constant 0 : i32
    %c0_i32_0 = arith.constant 0 : i32
    %c0_i32_1 = arith.constant 0 : i32
    return %c0_i32, %arg0, %c0_i32_0 : i32, i32, i32
  }
  func.func @transform_1(%arg0: i32) -> (i32, i32) {
    %c0_i32 = arith.constant 0 : i32
    %c0_i32_0 = arith.constant 0 : i32
    %c0_i32_1 = arith.constant 0 : i32
    return %c0_i32, %c0_i32_0 : i32, i32
  }
  func.func @transform_2(%arg0: i32) -> (i32, i32) {
    %c0_i32 = arith.constant 0 : i32
    %c0_i32_0 = arith.constant 0 : i32
    %c0_i32_1 = arith.constant 0 : i32
    return %c0_i32, %c0_i32_0 : i32, i32
  }
  func.func @transform_3(%arg0: i32) -> (i32, i32) {
    %c0_i32 = arith.constant 0 : i32
    %c0_i32_0 = arith.constant 0 : i32
    return %arg0, %c0_i32 : i32, i32
  }
}

module attributes {stable_mosaic.version = 14 : i64} {
  func.func @_tc_pool_body(%arg0: i32, %arg1: memref<2x5000x128xf32, #tpu.memory_space<vmem>>, %arg2: memref<128x128xf32, #tpu.memory_space<vmem>>, %arg3: memref<1x128xf32, #tpu.memory_space<vmem>>, %arg4: memref<8x128xf32, #tpu.memory_space<vmem>>) attributes {dimension_semantics = [#tpu.dimension_semantics<arbitrary>], iteration_bounds = array<i64: 2>, scalar_prefetch = 0 : i64, scratch_operands = 0 : i64, tpu.core_type = #tpu.core_type<tc>, window_params = [{transform_indices = @transform_0, window_bounds = array<i64: 2, 5000, 128>}, {pipeline_mode = #tpu.pipeline_mode<synchronous>, transform_indices = @transform_1, window_bounds = array<i64: 128, 128>}, {pipeline_mode = #tpu.pipeline_mode<synchronous>, transform_indices = @transform_2, window_bounds = array<i64: 1, 128>}, {transform_indices = @transform_3, window_bounds = array<i64: 8, 128>}]} {
    %get3A = arith.constant 0 : index
    %get3A_0 = arith.constant 0 : index
    %get3A_1 = arith.constant 0 : index
    %get3A_2 = vector.load %arg1[%get3A, %get3A_0, %get3A_1] : memref<2x5000x128xf32, #tpu.memory_space<vmem>>, vector<1x5000x128xf32>
    %get3A_3 = vector.shape_cast %get3A_2 : vector<1x5000x128xf32> to vector<5000x128xf32>
    %get3A_4 = arith.constant 1 : index
    %get3A_5 = arith.constant 0 : index
    %get3A_6 = arith.constant 0 : index
    %get3A_7 = vector.load %arg1[%get3A_4, %get3A_5, %get3A_6] : memref<2x5000x128xf32, #tpu.memory_space<vmem>>, vector<1x5000x128xf32>
    %get3A_8 = vector.shape_cast %get3A_7 : vector<1x5000x128xf32> to vector<5000x128xf32>
    %add3A = arith.addf %get3A_3, %get3A_8 : vector<5000x128xf32>
    %get3A_9 = arith.constant 0 : index
    %get3A_10 = arith.constant 0 : index
    %get3A_11 = vector.load %arg2[%get3A_9, %get3A_10] : memref<128x128xf32, #tpu.memory_space<vmem>>, vector<128x128xf32>
    %dot_general3A = arith.constant dense<0.000000e+00> : vector<5000x128xf32>
    %dot_general3A_12 = tpu.matmul %add3A, %get3A_11, %dot_general3A {dimension_numbers = #tpu.dot_dimension_numbers<[1], [0], [0], [1], [0, 0, 1, 1], [], []>, transpose_lhs_hint = false} : vector<5000x128xf32>, vector<128x128xf32>, vector<5000x128xf32> -> vector<5000x128xf32>
    %get3A_13 = arith.constant 0 : index
    %get3A_14 = arith.constant 0 : index
    %get3A_15 = vector.load %arg3[%get3A_13, %get3A_14] : memref<1x128xf32, #tpu.memory_space<vmem>>, vector<1x128xf32>
    %add3A_16 = vector.broadcast %get3A_15 : vector<1x128xf32> to vector<5000x128xf32>
    %add3A_17 = arith.addf %dot_general3A_12, %add3A_16 : vector<5000x128xf32>
    %mul3A = arith.constant 2.000000e-01 : f32
    %mul3A_18 = vector.broadcast %mul3A : f32 to vector<5000x128xf32>
    %mul3A_19 = arith.mulf %mul3A_18, %add3A_17 : vector<5000x128xf32>
    %max3A = arith.maximumf %add3A_17, %mul3A_19 : vector<5000x128xf32>
    %reshape3A = vector.shape_cast %max3A : vector<5000x128xf32> to vector<8x625x128xf32>
    %reduce_sum3A = arith.constant dense<0.000000e+00> : vector<8x128xf32>
    %reduce_sum3A_20 = vector.multi_reduction <add>, %reshape3A, %reduce_sum3A [1] : vector<8x625x128xf32> to vector<8x128xf32>
    %mul3A_21 = arith.constant 1.600000e-03 : f32
    %mul3A_22 = vector.broadcast %mul3A_21 : f32 to vector<8x128xf32>
    %mul3A_23 = arith.mulf %reduce_sum3A_20, %mul3A_22 : vector<8x128xf32>
    %swap3A = arith.constant 0 : index
    %swap3A_24 = arith.constant 0 : index
    %swap3A_25 = vector.load %arg4[%swap3A, %swap3A_24] : memref<8x128xf32, #tpu.memory_space<vmem>>, vector<8x128xf32>
    tpu.vector_store %arg4[%swap3A, %swap3A_24], %mul3A_23 {strides = array<i32>} : memref<8x128xf32, #tpu.memory_space<vmem>>, vector<8x128xf32>,
    return
  }
  func.func @transform_0(%arg0: i32) -> (i32, i32, i32) {
    %c0_i32 = arith.constant 0 : i32
    %c0_i32_0 = arith.constant 0 : i32
    %c0_i32_1 = arith.constant 0 : i32
    return %c0_i32, %arg0, %c0_i32_0 : i32, i32, i32
  }
  func.func @transform_1(%arg0: i32) -> (i32, i32) {
    %c0_i32 = arith.constant 0 : i32
    %c0_i32_0 = arith.constant 0 : i32
    %c0_i32_1 = arith.constant 0 : i32
    return %c0_i32, %c0_i32_0 : i32, i32
  }
  func.func @transform_2(%arg0: i32) -> (i32, i32) {
    %c0_i32 = arith.constant 0 : i32
    %c0_i32_0 = arith.constant 0 : i32
    %c0_i32_1 = arith.constant 0 : i32
    return %c0_i32, %c0_i32_0 : i32, i32
  }
  func.func @transform_3(%arg0: i32) -> (i32, i32) {
    %c0_i32 = arith.constant 0 : i32
    %c0_i32_0 = arith.constant 0 : i32
    return %arg0, %c0_i32 : i32, i32
  }
}

module attributes {stable_mosaic.version = 14 : i64} {
  func.func @_tc_mlp_body(%arg0: memref<16x128xf32, #tpu.memory_space<vmem>>, %arg1: memref<128x64xf32, #tpu.memory_space<vmem>>, %arg2: memref<1x64xf32, #tpu.memory_space<vmem>>, %arg3: memref<64x2xf32, #tpu.memory_space<vmem>>, %arg4: memref<1x2xf32, #tpu.memory_space<vmem>>, %arg5: memref<16x2xf32, #tpu.memory_space<vmem>>) attributes {dimension_semantics = [], scalar_prefetch = 0 : i64, scratch_operands = 0 : i64, tpu.core_type = #tpu.core_type<tc>} {
    %get3A = arith.constant 0 : index
    %get3A_0 = arith.constant 0 : index
    %get3A_1 = vector.load %arg0[%get3A, %get3A_0] : memref<16x128xf32, #tpu.memory_space<vmem>>, vector<16x128xf32>
    %get3A_2 = arith.constant 0 : index
    %get3A_3 = arith.constant 0 : index
    %get3A_4 = vector.load %arg1[%get3A_2, %get3A_3] : memref<128x64xf32, #tpu.memory_space<vmem>>, vector<128x64xf32>
    %dot_general3A = arith.constant dense<0.000000e+00> : vector<16x64xf32>
    %dot_general3A_5 = tpu.matmul %get3A_1, %get3A_4, %dot_general3A {dimension_numbers = #tpu.dot_dimension_numbers<[1], [0], [0], [1], [0, 0, 1, 1], [], []>, transpose_lhs_hint = false} : vector<16x128xf32>, vector<128x64xf32>, vector<16x64xf32> -> vector<16x64xf32>
    %get3A_6 = arith.constant 0 : index
    %get3A_7 = arith.constant 0 : index
    %get3A_8 = vector.load %arg2[%get3A_6, %get3A_7] : memref<1x64xf32, #tpu.memory_space<vmem>>, vector<1x64xf32>
    %add3A = vector.broadcast %get3A_8 : vector<1x64xf32> to vector<16x64xf32>
    %add3A_9 = arith.addf %dot_general3A_5, %add3A : vector<16x64xf32>
    %mul3A = arith.constant 2.000000e-01 : f32
    %mul3A_10 = vector.broadcast %mul3A : f32 to vector<16x64xf32>
    %mul3A_11 = arith.mulf %mul3A_10, %add3A_9 : vector<16x64xf32>
    %max3A = arith.maximumf %add3A_9, %mul3A_11 : vector<16x64xf32>
    %get3A_12 = arith.constant 0 : index
    %get3A_13 = arith.constant 0 : index
    %get3A_14 = vector.load %arg3[%get3A_12, %get3A_13] : memref<64x2xf32, #tpu.memory_space<vmem>>, vector<64x2xf32>
    %dot_general3A_15 = arith.constant dense<0.000000e+00> : vector<16x2xf32>
    %dot_general3A_16 = tpu.matmul %max3A, %get3A_14, %dot_general3A_15 {dimension_numbers = #tpu.dot_dimension_numbers<[1], [0], [0], [1], [0, 0, 1, 1], [], []>, transpose_lhs_hint = false} : vector<16x64xf32>, vector<64x2xf32>, vector<16x2xf32> -> vector<16x2xf32>
    %get3A_17 = arith.constant 0 : index
    %get3A_18 = arith.constant 0 : index
    %get3A_19 = vector.load %arg4[%get3A_17, %get3A_18] : memref<1x2xf32, #tpu.memory_space<vmem>>, vector<1x2xf32>
    %add3A_20 = vector.broadcast %get3A_19 : vector<1x2xf32> to vector<16x2xf32>
    %add3A_21 = arith.addf %dot_general3A_16, %add3A_20 : vector<16x2xf32>
    %swap3A = arith.constant 0 : index
    %swap3A_22 = arith.constant 0 : index
    %swap3A_23 = vector.load %arg5[%swap3A, %swap3A_22] : memref<16x2xf32, #tpu.memory_space<vmem>>, vector<16x2xf32>
    tpu.vector_store %arg5[%swap3A, %swap3A_22], %add3A_21 {strides = array<i32>} : memref<16x2xf32, #tpu.memory_space<vmem>>, vector<16x2xf32>,
    return
  }
}

</mosaic_0001>

<sc_bundles>
// kernel: kernel.10.cloned.1.call-start
scs
__scs_entry_jumppad:
0x0: {  	(pc) =	sbr.rel $0x88, $3  }
0x1: {  	(tag) =	ssettag $0x0;
	lr =	simm.s32 $0x1  }
0x2: {  	[smem:$0x3F97] =	sst lr;
	_ =	strace $0xD0000000  }
0x3: {  	_ = 	snop  }
0x4: {  	_ = 	snop  }
0x5: {  	_ = 	snop  }
0x6: {  	_ = 	snop  }
0x7: {  	_ = 	snop  }
__scs_overlays_trampoline_lowered:
0x8: {  	[smem:$0x3FA6] =	sst s0  }
0x9: {  	[smem:$0x3FA7] =	sst s1  }
0xa: {  	[smem:$0x3FA8] =	sst s2  }
0xb: {  	[smem:$0x3FA9] =	sst s3  }
0xc: {  	[smem:$0x3FAA] =	sst s4  }
0xd: {  	[smem:$0x3FAB] =	sst s5  }
0xe: {  	[smem:$0x3FAC] =	sst s6  }
0xf: {  	[smem:$0x3FAD] =	sst s7  }
0x10: {  	[smem:$0x3FAE] =	sst s8  }
0x11: {  	[smem:$0x3FAF] =	sst s9;
	s0 =	simm.s32 @!p0 $0x0  }
0x12: {  	s1 =	sld [smem:$0x3F95];
	s0 =	simm.s32 @p0 $0x1  }
0x13: {  	[smem:$0x3FB0] =	sst s0;
	s0 =	simm.s32 @!p1 $0x0  }
0x14: {  	s2 =	sld [smem:$0x3F94];
	s0 =	simm.s32 @p1 $0x1  }
0x15: {  	[smem:$0x3FB1] =	sst s0;
	s0 =	simm.s32 @!p2 $0x0  }
0x16: {  	s3 =	sld [smem:$0x3FDB];
	s0 =	simm.s32 @p2 $0x1  }
0x17: {  	s4 =	simm.s32 $0x1BF5;
	[smem:$0x3FB3] =	sst s0  }
0x18: {  	s0 =	sld [smem:$0x3F96];
	_ =	swait.ge [sflag:s4], $0x0  }
0x19: {  	s7 =	sld [smem:$0x3F97]  }
0x1a: {  	s8 =	sadd.s32 $0xFFFFE003, lr  }
0x1b: {  	s9 =	sadd.s32 $0xFFFFFEF7, lr;
	s5 =	simm.s32 $0xFFFFFFFF;
	p2 =	slt.u32 s8, $0xFFFFF086  }
0x1c: {  	p1 =	slt.u32 s9, $0xF7A;
	s5 =	simm.s32 @!p2 $0x0  }
0x1d: {  	s5 =	simm.s32 @p1 $0x1;
	p0 =	seq.s32 s7, s2  }
0x1e: {  	s7 =	smul.u32 @!p0 $0xF7A, s2;
	p2 =	seq.s32 @!p0 s5, $0x0  }
0x1f: {  	s9 =	smul.u32 $0xF7A, s1;
	s8 =	simm.s32 @!p0 $0x1BF5;
	p2 =	por !p2, p0  }
0x20: {  	[sflag:s8] =	ssyncset.s32 @!p0 $0xFFFFF086;
	s6 =	sadd.s32 @!p0 s3, s7;
	s7 =	simm.s32 @!p0 $0x108  }
0x21: {  	s3 =	sadd.s32 s3, s9;
	s6 =	sadd.s32 @!p0 $0x88, s6;
	s7 =	simm.s32 @p2 $0x1082  }
0x22: {  	[simem:s7], [sflag:s8] =	dma.local @!p0 [hbm:s6], $0xF7A  }
0x23: {  	s9 =	sor.u32 $0xD0000000, s2;
	s6 =	simm.s32 $0x108;
	_ =	swait.ge @!p0 [sflag:s8], $0x0  }
0x24: {  	s3 =	sadd.s32 $0x88, s3;
	s6 =	simm.s32 @!p1 $0x1082;
	[sflag:s4] =	ssyncset.s32 $0xFFFFF086  }
0x25: {  	[simem:s6], [sflag:s4] =	dma.local [hbm:s3], $0xF7A  }
0x26: {  	[smem:$0x3F97] =	sst s1;
	(tag) =	ssettag s2;
	_ =	strace s9  }
0x27: {  	s1 =	sld [smem:$0x3FA7]  }
0x28: {  	s2 =	sld [smem:$0x3FA8]  }
0x29: {  	s4 =	sld [smem:$0x3FAA]  }
0x2a: {  	p0 =	seq.s32 s5, $0x0;
	s5 =	sld [smem:$0x3FAB]  }
0x2b: {  	s6 =	sld [smem:$0x3FAC]  }
0x2c: {  	s7 =	sld [smem:$0x3FAD]  }
0x2d: {  	s3 =	simm.s32 $0x108;
	s8 =	sld [smem:$0x3FAE]  }
0x2e: {  	s3 =	simm.s32 @!p0 $0x1082;
	s9 =	sld [smem:$0x3FAF]  }
0x2f: {  	lr =	sadd.s32 s0, s3;
	s0 =	sld [smem:$0x3FA6]  }
0x30: {  	s3 =	sld [smem:$0x3FA9]  }
0x31: {  	[smem:$0x3FB2] =	sst s10  }
0x32: {  	s10 =	sld [smem:$0x3FB0];
	_ =	sdelay $0x3  }
0x33: {  	p0 =	seq.s32 s10, $0x1;
	s10 =	sld [smem:$0x3FB2];
	_ =	sdelay $0x3  }
0x34: {  	[smem:$0x3FB2] =	sst s10  }
0x35: {  	s10 =	sld [smem:$0x3FB1];
	_ =	sdelay $0x3  }
0x36: {  	p1 =	seq.s32 s10, $0x1;
	s10 =	sld [smem:$0x3FB2];
	_ =	sdelay $0x3  }
0x37: {  	[smem:$0x3FB2] =	sst s10  }
0x38: {  	s10 =	sld [smem:$0x3FB3]  }
0x39: {  	_ = 	snop;
	(pc) =	sbr.ind lr, $3  }
0x3a: {  	_ = 	snop  }
0x3b: {  	_ = 	snop  }
0x3c: {  	p2 =	seq.s32 s10, $0x1;
	s10 =	sld [smem:$0x3FB2]  }
0x3d: {  	_ =	shalt  }
0x3e: {  	_ =	shalt  }
0x3f: {  	_ =	shalt  }
0x40: {  	_ =	shalt  }
0x41: {  	_ =	shalt  }
0x42: {  	_ =	shalt  }
0x43: {  	_ =	shalt  }
0x44: {  	_ =	shalt  }
0x45: {  	_ =	shalt  }
0x46: {  	_ =	shalt  }
0x47: {  	_ =	shalt  }
0x48: {  	_ =	shalt  }
0x49: {  	_ =	shalt  }
0x4a: {  	_ =	shalt  }
0x4b: {  	_ =	shalt  }
0x4c: {  	_ =	shalt  }
0x4d: {  	_ =	shalt  }
0x4e: {  	_ =	shalt  }
0x4f: {  	_ =	shalt  }
0x50: {  	_ =	shalt  }
0x51: {  	_ =	shalt  }
0x52: {  	_ =	shalt  }
0x53: {  	_ =	shalt  }
0x54: {  	_ =	shalt  }
0x55: {  	_ =	shalt  }
0x56: {  	_ =	shalt  }
0x57: {  	_ =	shalt  }
0x58: {  	_ =	shalt  }
0x59: {  	_ =	shalt  }
0x5a: {  	_ =	shalt  }
0x5b: {  	_ =	shalt  }
0x5c: {  	_ =	shalt  }
0x5d: {  	_ =	shalt  }
0x5e: {  	_ =	shalt  }
0x5f: {  	_ =	shalt  }
0x60: {  	_ =	shalt  }
0x61: {  	_ =	shalt  }
0x62: {  	_ =	shalt  }
0x63: {  	_ =	shalt  }
0x64: {  	_ =	shalt  }
0x65: {  	_ =	shalt  }
0x66: {  	_ =	shalt  }
0x67: {  	_ =	shalt  }
0x68: {  	_ =	shalt  }
0x69: {  	_ =	shalt  }
0x6a: {  	_ =	shalt  }
0x6b: {  	_ =	shalt  }
0x6c: {  	_ =	shalt  }
0x6d: {  	_ =	shalt  }
0x6e: {  	_ =	shalt  }
0x6f: {  	_ =	shalt  }
0x70: {  	_ =	shalt  }
0x71: {  	_ =	shalt  }
0x72: {  	_ =	shalt  }
0x73: {  	_ =	shalt  }
0x74: {  	_ =	shalt  }
0x75: {  	_ =	shalt  }
0x76: {  	_ =	shalt  }
0x77: {  	_ =	shalt  }
0x78: {  	_ =	shalt  }
0x79: {  	_ =	shalt  }
0x7a: {  	_ =	shalt  }
0x7b: {  	_ =	shalt  }
0x7c: {  	_ =	shalt  }
0x7d: {  	_ =	shalt  }
0x7e: {  	_ =	shalt  }
0x7f: {  	_ =	shalt  }
0x80: {  	_ =	shalt  }
0x81: {  	_ =	shalt  }
0x82: {  	_ =	shalt  }
0x83: {  	_ =	shalt  }
0x84: {  	_ =	shalt  }
0x85: {  	_ =	shalt  }
0x86: {  	_ =	shalt  }
0x87: {  	_ =	shalt  }
.Lfunc_end0:
.L_simem_size_0:
called_computation.1_lowered:
.L_overlay_start_0:
0x88: {  	s2 =	sld [smem:$0x3FD9]  }
0x89: {  	s3 =	sld [smem:$0x3FFE];
	_ =	sdelay $0x1  }
0x8a: {  	s1 =	srdreg.scid  }
0x8b: {  	s0 =	sand.u32 $0x1, s1  }
0x8c: {  	s16 =	sshll.u32 s0, $0xA;
	s2 =	sadd.s32 s3, s2  }
0x8d: {  	s2 =	sadd.s32 s2, s16  }
0x8e: {  	[smem:$0x3FBE] =	sst s2  }
0x8f: {  	_ = 	snop  }
0x90: {  	(tm) =	ssettm $0x1  }
0x91: {  	s17 =	sld [smem:$0x3FFB];
	_ =	sdelay $0x3  }
0x92: {  	_ =	strace s17  }
0x93: {  	s2 =	sld [smem:$0x3FFC];
	_ =	sdelay $0x3  }
0x94: {  	_ =	strace s2  }
0x95: {  	s2 =	sld [smem:$0x3FFD];
	_ =	sdelay $0x3  }
0x96: {  	_ =	strace s2  }
0x97: {  	_ =	strace $0x8FFFFFFF  }
0x98: {  	s18 =	sld [smem:$0x3FDB];
	_ =	sdelay $0x1  }
0x99: {  	s19 =	simm.s32 $_scs_section_size  }
0x9a: {  	s4 =	simm.s32 $_size__tile_overlayer_lowered;
	s5 =	simm.s32 $_tile_overlayer_lowered  }
0x9b: {  	s22 =	simm.s32 $0x1BFF;
	s21 =	sshll.u32 s5, $0x1;
	s2 =	sadd.s32 s19, s18  }
0x9c: {  	s6 =	simm.s32 $0x0;
	s20 =	sshll.u32 s4, $0x1;
	s4 =	sadd.s32 s21, s2  }
0x9d: {  	[timem:s6], [sflag:s22] =	dma.local [hbm:s4], s20  }
0x9e: {  	_ =	swait.ge [sflag:s22], s20  }
0x9f: {  	s3 =	ssub.s32 $0x0, s20;
	[sflag:s22] =	ssyncset.done $0x0  }
0xa0: {  	[sflag:s22] =	ssyncadd.s32 s3;
	_ =	sdelay $0x1  }
0xa1: {  	s23 =	simm.s32 $0x1B8B  }
0xa2: {  	_ =	swait.ge [sflag:s23], $0x1  }
0xa3: {  	[sflag:s23] =	ssyncset.done $0x0  }
0xa4: {  	s25 =	simm.s32 $0x1B8E;
	s24 =	sld [smem:$0x3FFE];
	[sflag:s23] =	ssyncadd.s32 $0xFFFFFFFF  }
0xa5: {  	s26 =	simm.s32 $execute0_lowered;
	[smem:$0x3FD2] =	sst s25  }
0xa6: {  	s4 =	sshll.u32 s26, $0x1;
	_ =	strace $0x80000049;
	[dreg:$0x1] =	wrdreg $0xFFFFFFFF  }
0xa7: {  	s28 =	simm.s32 $_size_execute0_lowered;
	s2 =	sadd.s32 s2, s4;
	[dreg:$0x0] =	wrdreg $0x0  }
0xa8: {  	s4 =	sshll.u32 s28, $0x1;
	[dreg:$0x2] =	wrdreg s2  }
0xa9: {  	[dreg:$0x3] =	wrdreg s4  }
0xaa: {  	[dreg:$0x4] =	wrdreg $0xC0  }
0xab: {  	_ =	task [dreg:s6], $0x5FFFF  }
0xac: {  	[dreg:$0x1] =	wrdreg $0xFFFFFFFF  }
0xad: {  	[dreg:$0x0] =	wrdreg $0x60  }
0xae: {  	[dreg:$0x2] =	wrdreg s24  }
0xaf: {  	[dreg:$0x3] =	wrdreg $0x0  }
0xb0: {  	[dreg:$0x4] =	wrdreg $0x9  }
0xb1: {  	_ =	task.clear_ibuf [dreg:s6], $0x5FFFF;
	_ =	strace $0x90000049  }
0xb2: {  	s29 =	simm.s32 $0x9;
	_ =	strace $0x8000004B  }
0xb3: {  	_ =	swait.ge [sflag:s29], $0x1  }
0xb4: {  	[sflag:s29] =	ssyncadd.s32 $0xFFFFFFFF  }
0xb5: {  	_ =	strace $0x9000004B  }
0xb6: {  	_ =	sfence  }
0xb7: {  	s30 =	sld [smem:$0x0];
	_ =	sdelay $0x2  }
0xb8: {  	s31 =	sshll.u32 s1, $0xD;
	s1 =	sshrl.u32 s1, $0x2  }
0xb9: {  	s3 =	sand.u32 $0x4000, s31;
	s1 =	sadd.s32 s1, s30  }
0xba: {  	s0 =	sor.u32 s3, s0;
	s1 =	sshll.u32 s1, $0x11  }
0xbb: {  	s0 =	sor.u32 s1, s0  }
0xbc: {  	s0 =	sadd.s32 $0x8F2B, s0  }
0xbd: {  	[sflag:s0] =	ssyncadd.remote.s32 $0x1  }
0xbe: {  	_ =	sfence.sel $0xFFFF  }
0xbf: {  	[dreg:$0x0] =	wrdreg $0xFFFFFFFF;
	(pc) =	sbr.abs _section_cstart, $3  }
0xc0: {  	[dreg:$0x1] =	wrdreg $0xFFFFFFFF  }
0xc1: {  	_ =	task.clear_ibuf [dreg:s6], $0x2FFFF;
	_ =	strace $0x9FFFFFFF  }
0xc2: {  	(tm) =	ssettm $0x7FFFFFFF  }
0xc3: {  	_ =	shalt  }
tec
execute0_lowered:
.L_overlay_start_1:
0x0: {  	(tag) =	ssettag $0x1  }
0x1: {  	s0 =	rddreg [dreg:$0x0]  }
0x2: {  	s1 =	rddreg [dreg:$0x1];
	s3 =	simm.s32 $0x0;
	s2 =	srdreg.scid  }
0x3: {  	s11 =	stileid.u32;
	s30 =	simm.s32 $0x14300;
	s31 =	simm.s32 $0x14180  }
0x4: {  	s29 =	simm.s32 $0x14080;
	[smem:$0x7FF] =	sst s3;
	s2 =	sand.u32 $0x1, s2  }
0x5: {  	s6 =	sshll.u32 s11, $0x1;
	s4 =	sadd.s32 $0x17A00, s0;
	s7 =	smul.u32 $0x14000, s11  }
0x6: {  	s17 =	sadd.s32 $0xB400, s0;
	s19 =	sadd.s32 $0x1600, s0;
	s20 =	smul.u32 $0x50000, s11  }
0x7: {  	s8 =	sadd.s32 $0x15200, s0;
	s21 =	smul.u32 $0x4E20, s11;
	s25 =	sshll.u32 s11, $0x6  }
0x8: {  	_ =	strace $0x8000004A;
	s5 =	smul.u32 $0x140000, s2;
	s6 =	sor.u32 s2, s6  }
0x9: {  	[dreg:$0x3] =	wrdreg s8;
	s8 =	ssub.s32 $0x2, s2;
	s2 =	smul.u32 $0x2710, s2  }
0xa: {  	s11 =	simm.s32 $0x16C00;
	s6 =	smul.u32 $0x2710, s6;
	s10 =	sshrl.u32 s8, $0x1  }
0xb: {  	s24 =	sshrl.u32 s20, $0x2;
	s5 =	sadd.s32 s7, s5;
	s12 =	ssub.s32 s8, s10  }
0xc: {  	s2 =	sadd.s32 s2, s21;
	s8 =	simm.s32 $0x50;
	s5 =	sshrl.u32 s5, $0x3  }
0xd: {  	s9 =	sshrl.u32 s6, $0x3;
	s26 =	sadd.s32 $0x1E0, s2;
	s28 =	sadd.s32 $0x190, s2  }
0xe: {  	s0 =	sadd.s32 s5, s0;
	s13 =	sadd.s32 $0xA, s9;
	s14 =	sadd.s32 s17, s9  }
0xf: {  	s15 =	sadd.s32 s19, s9;
	s18 =	sadd.s32 $0x14, s9;
	s9 =	sadd.s32 $0x1E, s9  }
0x10: {  	s5 =	smax.u32 s12, $0x1;
	s21 =	sshrl.u32 s26, $0x3;
	[dreg:$0x4] =	wrdreg s14  }
0x11: {  	s12 =	simm.s32 $0x5;
	[dreg:$0x5] =	wrdreg s15;
	s16 =	sadd.s32 s17, s13  }
0x12: {  	s7 =	sadd.s32 s19, s13;
	s10 =	sadd.s32 s17, s18;
	[dreg:$0xf] =	wrdreg s5  }
0x13: {  	s22 =	sadd.s32 s17, s9;
	s23 =	sadd.s32 s19, s9;
	[dreg:$0x6] =	wrdreg s16  }
0x14: {  	s0 =	sadd.s32 $0x3FA00, s0;
	s9 =	simm.s32 $0x14400;
	[dreg:$0x7] =	wrdreg s7  }
0x15: {  	s13 =	simm.s32 $0x3;
	s14 =	simm.s32 $0x6;
	[dreg:$0x8] =	wrdreg s10  }
0x16: {  	s15 =	simm.s32 $0x4;
	s7 =	sadd.s32 s19, s18;
	[dreg:$0xa] =	wrdreg s22  }
0x17: {  	[dreg:$0xb] =	wrdreg s23;
	s16 =	sor.u32 $0x1C07, s25;
	s18 =	sadd.s32 $0x140, s6  }
.Ltmp0:
0x18: {  	[dreg:$0xe] =	wrdreg s0;
	s22 =	sshrl.u32 s28, $0x3;
	(pc) =	sbr.rel .LBB2_1-.Ltmp0, $4  }
0x19: {  	s23 =	sadd.s32 $0x140, s2;
	s25 =	simm.s32 $0x14200;
	s0 =	simm.s32 $0x14380  }
0x1a: {  	s2 =	simm.s32 $0x7;
	s10 =	simm.s32 $0x2;
	[dreg:$0x9] =	wrdreg s7  }
0x1b: {  	s6 =	simm.s32 $0x0;
	s7 =	sadd.s32 s24, s1;
	[dreg:$0xd] =	wrdreg s16  }
0x1c: {  	s24 =	simm.s32 $0x14000;
	[dreg:$0xc] =	wrdreg s7;
	s7 =	simm.s32 $0x1  }
.LBB2_4:
0x1d: {  	_ =	swait.ge [sflag:s12], $0x2800  }
0x1e: {  	[sflag:s12] =	ssyncset.done $0x0  }
0x1f: {  	[sflag:s12] =	ssyncadd.s32 $0xFFFFD800  }
0x20: {  	[spmem:s1] =	stream.indirect.scatter.add.f32 [tilespmem:s9], [sflag:$0x7], $0x80, s25, s8, $0xb8;
	[tilespmem:$0x19400] =	vst v63  }
0x21: {  	_ =	swait.ge [sflag:s2], $0x2800  }
0x22: {  	[sflag:s2] =	ssyncset.done $0x0  }
0x23: {  	[sflag:s2] =	ssyncadd.s32 $0xFFFFD800  }
0x24: {  	[bflag:$0x0] =	sbarrier.arrive $0xFFFF  }
0x25: {  	s16 =	rddreg [dreg:$0xd]  }
0x26: {  	s5 =	rddreg [dreg:$0xe]  }
0x27: {  	s6 =	rddreg [dreg:$0x11]  }
0x28: {  	[hbm:s5], [sflag:s16] =	dma.local [spmem:s6], $0x2800  }
0x29: {  	_ =	swait.ge [sflag:s2], $0x2800  }
0x2a: {  	s26 =	rddreg [dreg:$0x10]  }
0x2b: {  	s28 =	rddreg [dreg:$0xf];
	s6 =	sadd.s32 $0x1, s26  }
0x2c: {  	p0 =	sne.s32 s6, s28  }
.Ltmp1:
0x2d: {  	_ = 	snop;
	(pc) =	sbr.rel @!p0 .LBB2_5-.Ltmp1, $3  }
0x2e: {  	_ =	sdelay $0x1  }
0x2f: {  	[sflag:s2] =	ssyncset.done $0x0  }
0x30: {  	[sflag:s2] =	ssyncadd.s32 $0xFFFFD800  }
.LBB2_1:
0x31: {  	[dreg:$0x10] =	wrdreg s6  }
0x32: {  	s5 =	rddreg [dreg:$0x4]  }
0x33: {  	s20 =	rddreg [dreg:$0x5]  }
0x34: {  	[tilespmem:s24], [sflag:$0x1] =	stream.linear.gather [hbm4b:s5+s3], $0x50, $0x38;
	[tilespmem:$0x19400] =	vst v63  }
0x35: {  	s26 =	rddreg [dreg:$0x6]  }
0x36: {  	[tilespmem:s25], [sflag:$0x1] =	stream.linear.gather [hbm4b:s20+s3], $0x50, $0x38;
	[tilespmem:$0x19400] =	vst v63  }
0x37: {  	s6 =	simm.s32 $0x14080;
	s28 =	rddreg [dreg:$0x7]  }
0x38: {  	[tilespmem:s6], [sflag:$0x2] =	stream.linear.gather [hbm4b:s26+s3], $0x50, $0x38;
	[tilespmem:$0x19400] =	vst v63  }
0x39: {  	s20 =	simm.s32 $0x14280;
	s26 =	rddreg [dreg:$0x8]  }
0x3a: {  	[tilespmem:s20], [sflag:$0x2] =	stream.linear.gather [hbm4b:s28+s3], $0x50, $0x38;
	[tilespmem:$0x19400] =	vst v63  }
0x3b: {  	s28 =	simm.s32 $0x14100;
	s20 =	rddreg [dreg:$0x9]  }
0x3c: {  	[tilespmem:s28], [sflag:$0x3] =	stream.linear.gather [hbm4b:s26+s3], $0x50, $0x38;
	[tilespmem:$0x19400] =	vst v63  }
0x3d: {  	s26 =	rddreg [dreg:$0xa]  }
0x3e: {  	[tilespmem:s30], [sflag:$0x3] =	stream.linear.gather [hbm4b:s20+s3], $0x50, $0x38;
	[tilespmem:$0x19400] =	vst v63  }
0x3f: {  	s20 =	rddreg [dreg:$0xc]  }
0x40: {  	[tilespmem:s31], [sflag:$0x4] =	stream.linear.gather [hbm4b:s26+s3], $0x50, $0x38;
	[tilespmem:$0x19400] =	vst v63  }
0x41: {  	s28 =	rddreg [dreg:$0xb];
	s26 =	sshrl.u32 s20, $0x3  }
0x42: {  	[dreg:$0x11] =	wrdreg s26  }
0x43: {  	[tilespmem:s0], [sflag:$0x4] =	stream.linear.gather [hbm4b:s28+s3], $0x50, $0x38;
	[tilespmem:$0x19400] =	vst v63  }
0x44: {  	s28 =	rddreg [dreg:$0x3]  }
0x45: {  	[spmem:s26], [sflag:s16] =	dma.local [hbm:s28], $0x2800  }
0x46: {  	_ =	swait.ge [sflag:s2], $0x2800  }
0x47: {  	[sflag:s2] =	ssyncset.done $0x0  }
0x48: {  	[sflag:s2] =	ssyncadd.s32 $0xFFFFD800  }
0x49: {  	_ =	swait.ge [sflag:s7], $0x50  }
0x4a: {  	[sflag:s7] =	ssyncset.done $0x0  }
0x4b: {  	[sflag:s7] =	ssyncadd.s32 $0xFFFFFFB0  }
0x4c: {  	_ =	swait.ge [sflag:s7], $0x50  }
0x4d: {  	[sflag:s7] =	ssyncset.done $0x0  }
0x4e: {  	[sflag:s7] =	ssyncadd.s32 $0xFFFFFFB0  }
0x4f: {  	[tilespmem:s9], [sflag:$0x5] =	stream.indirect.gather [hbm4b:s4+s8], $0x80, s24, s8, $0xb8;
	[tilespmem:$0x19400] =	vst v63  }
0x50: {  	_ =	swait.ge [sflag:s10], $0x50  }
0x51: {  	[sflag:s10] =	ssyncset.done $0x0  }
0x52: {  	[sflag:s10] =	ssyncadd.s32 $0xFFFFFFB0  }
0x53: {  	_ =	swait.ge [sflag:s10], $0x50  }
0x54: {  	[sflag:s10] =	ssyncset.done $0x0  }
0x55: {  	s5 =	smov.u32 s17;
	[sflag:s10] =	ssyncadd.s32 $0xFFFFFFB0  }
0x56: {  	[tilespmem:s11], [sflag:$0x6] =	stream.indirect.gather [hbm4b:s4+s8], $0x80, s6, s8, $0xb8;
	[tilespmem:$0x19400] =	vst v63  }
0x57: {  	s20 =	simm.s32 $0x0;
	s6 =	smov.u32 s19;
	[bflag:$0x0] =	sbarrier.arrive $0xFFFF  }
.LBB2_2:
0x58: {  	_ =	swait.ge [sflag:s12], $0x2800  }
0x59: {  	[sflag:s12] =	ssyncset.done $0x0  }
0x5a: {  	[sflag:s12] =	ssyncadd.s32 $0xFFFFD800  }
0x5b: {  	[spmem:s1] =	stream.indirect.scatter.add.f32 [tilespmem:s9], [sflag:$0x7], $0x80, s25, s8, $0xb8;
	[tilespmem:$0x19400] =	vst v63  }
0x5c: {  	s16 =	sadd.s32 s20, s23;
	_ =	swait.ge [sflag:s2], $0x2800  }
0x5d: {  	s16 =	sshrl.u32 s16, $0x3;
	[sflag:s2] =	ssyncset.done $0x0  }
0x5e: {  	s26 =	sadd.s32 s17, s16;
	[sflag:s2] =	ssyncadd.s32 $0xFFFFD800  }
0x5f: {  	[tilespmem:s24], [sflag:$0x1] =	stream.linear.gather [hbm4b:s26+s3], $0x50, $0x38;
	[tilespmem:$0x19400] =	vst v63  }
0x60: {  	s16 =	sadd.s32 s19, s16  }
0x61: {  	[tilespmem:s25], [sflag:$0x1] =	stream.linear.gather [hbm4b:s16+s3], $0x50, $0x38;
	[tilespmem:$0x19400] =	vst v63  }
0x62: {  	_ =	swait.ge [sflag:s13], $0x50  }
0x63: {  	[sflag:s13] =	ssyncset.done $0x0  }
0x64: {  	[sflag:s13] =	ssyncadd.s32 $0xFFFFFFB0  }
0x65: {  	_ =	swait.ge [sflag:s13], $0x50  }
0x66: {  	[sflag:s13] =	ssyncset.done $0x0  }
0x67: {  	s26 =	simm.s32 $0x14100;
	[sflag:s13] =	ssyncadd.s32 $0xFFFFFFB0  }
0x68: {  	[tilespmem:s9], [sflag:$0x5] =	stream.indirect.gather [hbm4b:s4+s8], $0x80, s26, s8, $0xb8;
	[tilespmem:$0x19400] =	vst v63  }
0x69: {  	_ =	swait.ge [sflag:s14], $0x2800  }
0x6a: {  	[sflag:s14] =	ssyncset.done $0x0  }
0x6b: {  	s28 =	simm.s32 $0x14280;
	[sflag:s14] =	ssyncadd.s32 $0xFFFFD800  }
0x6c: {  	[spmem:s1] =	stream.indirect.scatter.add.f32 [tilespmem:s11], [sflag:$0x7], $0x80, s28, s8, $0xb8;
	[tilespmem:$0x19400] =	vst v63  }
0x6d: {  	p0 =	seq.s32 s20, $0x2580;
	_ =	swait.ge [sflag:s2], $0x2800  }
0x6e: {  	s16 =	sadd.s32 @!p0 s5, s22;
	[sflag:s2] =	ssyncset.done $0x0  }
0x6f: {  	s26 =	simm.s32 @!p0 $0x0;
	s28 =	simm.s32 @!p0 $0x14080;
	[sflag:s2] =	ssyncadd.s32 $0xFFFFD800  }
0x70: {  	[tilespmem:s28], [sflag:$0x2] =	stream.linear.gather @!p0 [hbm4b:s16+s26], $0x50, $0x38;
	[tilespmem:$0x19400] =	vst v63  }
0x71: {  	s16 =	sadd.s32 @!p0 s6, s22;
	s28 =	simm.s32 @!p0 $0x14280  }
0x72: {  	[tilespmem:s28], [sflag:$0x2] =	stream.linear.gather @!p0 [hbm4b:s16+s26], $0x50, $0x38;
	[tilespmem:$0x19400] =	vst v63  }
0x73: {  	_ =	swait.ge [sflag:s15], $0x50  }
0x74: {  	[sflag:s15] =	ssyncset.done $0x0  }
0x75: {  	[sflag:s15] =	ssyncadd.s32 $0xFFFFFFB0  }
0x76: {  	_ =	swait.ge [sflag:s15], $0x50  }
0x77: {  	[sflag:s15] =	ssyncset.done $0x0  }
0x78: {  	[sflag:s15] =	ssyncadd.s32 $0xFFFFFFB0  }
0x79: {  	[tilespmem:s11], [sflag:$0x6] =	stream.indirect.gather [hbm4b:s4+s8], $0x80, s31, s8, $0xb8;
	[tilespmem:$0x19400] =	vst v63  }
0x7a: {  	_ =	swait.ge [sflag:s12], $0x2800  }
0x7b: {  	[sflag:s12] =	ssyncset.done $0x0  }
0x7c: {  	[sflag:s12] =	ssyncadd.s32 $0xFFFFD800  }
0x7d: {  	[spmem:s1] =	stream.indirect.scatter.add.f32 [tilespmem:s9], [sflag:$0x7], $0x80, s30, s8, $0xb8;
	[tilespmem:$0x19400] =	vst v63  }
0x7e: {  	_ =	swait.ge [sflag:s2], $0x2800  }
0x7f: {  	[sflag:s2] =	ssyncset.done $0x0  }
0x80: {  	s16 =	sadd.s32 @!p0 s5, s21;
	s28 =	simm.s32 @!p0 $0x14100;
	[sflag:s2] =	ssyncadd.s32 $0xFFFFD800  }
0x81: {  	[tilespmem:s28], [sflag:$0x3] =	stream.linear.gather @!p0 [hbm4b:s16+s26], $0x50, $0x38;
	[tilespmem:$0x19400] =	vst v63  }
0x82: {  	s16 =	sadd.s32 @!p0 s6, s21;
	s28 =	simm.s32 @!p0 $0x14300  }
0x83: {  	[tilespmem:s28], [sflag:$0x3] =	stream.linear.gather @!p0 [hbm4b:s16+s26], $0x50, $0x38;
	[tilespmem:$0x19400] =	vst v63  }
0x84: {  	_ =	swait.ge [sflag:s7], $0x50  }
0x85: {  	[sflag:s7] =	ssyncset.done $0x0  }
0x86: {  	[sflag:s7] =	ssyncadd.s32 $0xFFFFFFB0  }
0x87: {  	_ =	swait.ge [sflag:s7], $0x50  }
0x88: {  	[sflag:s7] =	ssyncset.done $0x0  }
0x89: {  	[sflag:s7] =	ssyncadd.s32 $0xFFFFFFB0  }
0x8a: {  	[tilespmem:s9], [sflag:$0x5] =	stream.indirect.gather [hbm4b:s4+s8], $0x80, s24, s8, $0xb8;
	[tilespmem:$0x19400] =	vst v63  }
0x8b: {  	_ =	swait.ge [sflag:s14], $0x2800  }
0x8c: {  	[sflag:s14] =	ssyncset.done $0x0  }
.Ltmp2:
0x8d: {  	[sflag:s14] =	ssyncadd.s32 $0xFFFFD800;
	(pc) =	sbr.rel @p0 .LBB2_4-.Ltmp2, $4  }
0x8e: {  	[spmem:s1] =	stream.indirect.scatter.add.f32 [tilespmem:s11], [sflag:$0x7], $0x80, s0, s8, $0xb8;
	[tilespmem:$0x19400] =	vst v63  }
0x8f: {  	_ =	swait.ge [sflag:s2], $0x2800  }
0x90: {  	[sflag:s2] =	ssyncset.done $0x0  }
0x91: {  	[sflag:s2] =	ssyncadd.s32 $0xFFFFD800  }
0x92: {  	s16 =	sadd.s32 @!p0 $0xF0, s20  }
0x93: {  	s16 =	simm.s32 @p0 $0x2670  }
0x94: {  	s16 =	sadd.s32 s16, s18  }
0x95: {  	s16 =	sshrl.u32 s16, $0x3  }
0x96: {  	s26 =	sadd.s32 s17, s16  }
0x97: {  	[tilespmem:s31], [sflag:$0x4] =	stream.linear.gather [hbm4b:s26+s3], $0x50, $0x38;
	[tilespmem:$0x19400] =	vst v63  }
0x98: {  	s16 =	sadd.s32 s19, s16  }
0x99: {  	[tilespmem:s0], [sflag:$0x4] =	stream.linear.gather [hbm4b:s16+s3], $0x50, $0x38;
	[tilespmem:$0x19400] =	vst v63  }
0x9a: {  	_ =	swait.ge [sflag:s10], $0x50  }
0x9b: {  	[sflag:s10] =	ssyncset.done $0x0  }
.Ltmp3:
0x9c: {  	[sflag:s10] =	ssyncadd.s32 $0xFFFFFFB0;
	(pc) =	sbr.rel .LBB2_2-.Ltmp3, $4  }
0x9d: {  	_ =	swait.ge [sflag:s10], $0x50  }
0x9e: {  	s6 =	sadd.s32 $0x28, s6;
	[sflag:s10] =	ssyncset.done $0x0  }
0x9f: {  	s5 =	sadd.s32 $0x28, s5;
	s20 =	sadd.s32 $0x140, s20;
	[sflag:s10] =	ssyncadd.s32 $0xFFFFFFB0  }
0xa0: {  	[tilespmem:s11], [sflag:$0x6] =	stream.indirect.gather [hbm4b:s4+s8], $0x80, s29, s8, $0xb8;
	[tilespmem:$0x19400] =	vst v63  }
.LBB2_5:
0xa1: {  	_ =	sfence.sel $0x180000  }
0xa2: {  	[bflag:$0x0] =	sbarrier.arrive $0xFFFF  }
0xa3: {  	_ =	strace $0x9000004A  }
0xa4: {  	s0 =	stileid.u32;
	[bflag:$0x2] =	sbarrier.arrive $0xFFFF  }
0xa5: {  	p0 =	sne.s32 s0, $0x0;
	s0 =	rddreg [dreg:$0x2]  }
0xa6: {  	s0 =	sadd.s32 @!p0 $0x100000, s0  }
0xa7: {  	[sflag:s0] =	ssyncadd.tile.s32 @!p0 $0x1;
	_ =	shalt  }
.Lfunc_end2:
_tile_overlayer_lowered:
.L_overlay_start_2:
0xa8: {  	(tag) =	ssettag $0x2  }
0xa9: {  	s0 =	rddreg [dreg:$0x0];
	s2 =	stileid.u32  }
0xaa: {  	s1 =	rddreg [dreg:$0x1];
	p0 =	sne.s32 s2, $0x0  }
0xab: {  	s3 =	rddreg [dreg:$0x2];
	[bflag:$0x3] =	sbarrier.arrive $0xFFFF;
	s2 =	simm.s32 @!p0 $0x1C07  }
0xac: {  	[timem:s3], [sflag:s2] =	dma.local @!p0 [hbm:s0], s1  }
0xad: {  	s0 =	simm.s32 @!p0 $0x7  }
0xae: {  	_ =	swait.ge @!p0 [sflag:s0], s1  }
0xaf: {  	s1 =	ssub.s32 @!p0 $0x0, s1;
	[sflag:s0] =	ssyncset.done @!p0 $0x0  }
0xb0: {  	[sflag:s0] =	ssyncadd.s32 @!p0 s1  }
0xb1: {  	[bflag:$0x3] =	sbarrier.arrive $0xFFFF  }
0xb2: {  	_ =	shalt  }

// kernel: kernel.7.cloned.1.call-start
scs
__scs_entry_jumppad:
0x0: {  	(pc) =	sbr.rel $0x88, $3  }
0x1: {  	(tag) =	ssettag $0x0;
	lr =	simm.s32 $0x1  }
0x2: {  	[smem:$0x3F97] =	sst lr;
	_ =	strace $0xD0000000  }
0x3: {  	_ = 	snop  }
0x4: {  	_ = 	snop  }
0x5: {  	_ = 	snop  }
0x6: {  	_ = 	snop  }
0x7: {  	_ = 	snop  }
__scs_overlays_trampoline_lowered:
0x8: {  	[smem:$0x3FA6] =	sst s0  }
0x9: {  	[smem:$0x3FA7] =	sst s1  }
0xa: {  	[smem:$0x3FA8] =	sst s2  }
0xb: {  	[smem:$0x3FA9] =	sst s3  }
0xc: {  	[smem:$0x3FAA] =	sst s4  }
0xd: {  	[smem:$0x3FAB] =	sst s5  }
0xe: {  	[smem:$0x3FAC] =	sst s6  }
0xf: {  	[smem:$0x3FAD] =	sst s7  }
0x10: {  	[smem:$0x3FAE] =	sst s8  }
0x11: {  	[smem:$0x3FAF] =	sst s9;
	s0 =	simm.s32 @!p0 $0x0  }
0x12: {  	s1 =	sld [smem:$0x3F95];
	s0 =	simm.s32 @p0 $0x1  }
0x13: {  	[smem:$0x3FB0] =	sst s0;
	s0 =	simm.s32 @!p1 $0x0  }
0x14: {  	s2 =	sld [smem:$0x3F94];
	s0 =	simm.s32 @p1 $0x1  }
0x15: {  	[smem:$0x3FB1] =	sst s0;
	s0 =	simm.s32 @!p2 $0x0  }
0x16: {  	s3 =	sld [smem:$0x3FDB];
	s0 =	simm.s32 @p2 $0x1  }
0x17: {  	s4 =	simm.s32 $0x1BF5;
	[smem:$0x3FB3] =	sst s0  }
0x18: {  	s0 =	sld [smem:$0x3F96];
	_ =	swait.ge [sflag:s4], $0x0  }
0x19: {  	s7 =	sld [smem:$0x3F97]  }
0x1a: {  	s8 =	sadd.s32 $0xFFFFE003, lr  }
0x1b: {  	s9 =	sadd.s32 $0xFFFFFEF7, lr;
	s5 =	simm.s32 $0xFFFFFFFF;
	p2 =	slt.u32 s8, $0xFFFFF086  }
0x1c: {  	p1 =	slt.u32 s9, $0xF7A;
	s5 =	simm.s32 @!p2 $0x0  }
0x1d: {  	s5 =	simm.s32 @p1 $0x1;
	p0 =	seq.s32 s7, s2  }
0x1e: {  	s7 =	smul.u32 @!p0 $0xF7A, s2;
	p2 =	seq.s32 @!p0 s5, $0x0  }
0x1f: {  	s9 =	smul.u32 $0xF7A, s1;
	s8 =	simm.s32 @!p0 $0x1BF5;
	p2 =	por !p2, p0  }
0x20: {  	[sflag:s8] =	ssyncset.s32 @!p0 $0xFFFFF086;
	s6 =	sadd.s32 @!p0 s3, s7;
	s7 =	simm.s32 @!p0 $0x108  }
0x21: {  	s3 =	sadd.s32 s3, s9;
	s6 =	sadd.s32 @!p0 $0x88, s6;
	s7 =	simm.s32 @p2 $0x1082  }
0x22: {  	[simem:s7], [sflag:s8] =	dma.local @!p0 [hbm:s6], $0xF7A  }
0x23: {  	s9 =	sor.u32 $0xD0000000, s2;
	s6 =	simm.s32 $0x108;
	_ =	swait.ge @!p0 [sflag:s8], $0x0  }
0x24: {  	s3 =	sadd.s32 $0x88, s3;
	s6 =	simm.s32 @!p1 $0x1082;
	[sflag:s4] =	ssyncset.s32 $0xFFFFF086  }
0x25: {  	[simem:s6], [sflag:s4] =	dma.local [hbm:s3], $0xF7A  }
0x26: {  	[smem:$0x3F97] =	sst s1;
	(tag) =	ssettag s2;
	_ =	strace s9  }
0x27: {  	s1 =	sld [smem:$0x3FA7]  }
0x28: {  	s2 =	sld [smem:$0x3FA8]  }
0x29: {  	s4 =	sld [smem:$0x3FAA]  }
0x2a: {  	p0 =	seq.s32 s5, $0x0;
	s5 =	sld [smem:$0x3FAB]  }
0x2b: {  	s6 =	sld [smem:$0x3FAC]  }
0x2c: {  	s7 =	sld [smem:$0x3FAD]  }
0x2d: {  	s3 =	simm.s32 $0x108;
	s8 =	sld [smem:$0x3FAE]  }
0x2e: {  	s3 =	simm.s32 @!p0 $0x1082;
	s9 =	sld [smem:$0x3FAF]  }
0x2f: {  	lr =	sadd.s32 s0, s3;
	s0 =	sld [smem:$0x3FA6]  }
0x30: {  	s3 =	sld [smem:$0x3FA9]  }
0x31: {  	[smem:$0x3FB2] =	sst s10  }
0x32: {  	s10 =	sld [smem:$0x3FB0];
	_ =	sdelay $0x3  }
0x33: {  	p0 =	seq.s32 s10, $0x1;
	s10 =	sld [smem:$0x3FB2];
	_ =	sdelay $0x3  }
0x34: {  	[smem:$0x3FB2] =	sst s10  }
0x35: {  	s10 =	sld [smem:$0x3FB1];
	_ =	sdelay $0x3  }
0x36: {  	p1 =	seq.s32 s10, $0x1;
	s10 =	sld [smem:$0x3FB2];
	_ =	sdelay $0x3  }
0x37: {  	[smem:$0x3FB2] =	sst s10  }
0x38: {  	s10 =	sld [smem:$0x3FB3]  }
0x39: {  	_ = 	snop;
	(pc) =	sbr.ind lr, $3  }
0x3a: {  	_ = 	snop  }
0x3b: {  	_ = 	snop  }
0x3c: {  	p2 =	seq.s32 s10, $0x1;
	s10 =	sld [smem:$0x3FB2]  }
0x3d: {  	_ =	shalt  }
0x3e: {  	_ =	shalt  }
0x3f: {  	_ =	shalt  }
0x40: {  	_ =	shalt  }
0x41: {  	_ =	shalt  }
0x42: {  	_ =	shalt  }
0x43: {  	_ =	shalt  }
0x44: {  	_ =	shalt  }
0x45: {  	_ =	shalt  }
0x46: {  	_ =	shalt  }
0x47: {  	_ =	shalt  }
0x48: {  	_ =	shalt  }
0x49: {  	_ =	shalt  }
0x4a: {  	_ =	shalt  }
0x4b: {  	_ =	shalt  }
0x4c: {  	_ =	shalt  }
0x4d: {  	_ =	shalt  }
0x4e: {  	_ =	shalt  }
0x4f: {  	_ =	shalt  }
0x50: {  	_ =	shalt  }
0x51: {  	_ =	shalt  }
0x52: {  	_ =	shalt  }
0x53: {  	_ =	shalt  }
0x54: {  	_ =	shalt  }
0x55: {  	_ =	shalt  }
0x56: {  	_ =	shalt  }
0x57: {  	_ =	shalt  }
0x58: {  	_ =	shalt  }
0x59: {  	_ =	shalt  }
0x5a: {  	_ =	shalt  }
0x5b: {  	_ =	shalt  }
0x5c: {  	_ =	shalt  }
0x5d: {  	_ =	shalt  }
0x5e: {  	_ =	shalt  }
0x5f: {  	_ =	shalt  }
0x60: {  	_ =	shalt  }
0x61: {  	_ =	shalt  }
0x62: {  	_ =	shalt  }
0x63: {  	_ =	shalt  }
0x64: {  	_ =	shalt  }
0x65: {  	_ =	shalt  }
0x66: {  	_ =	shalt  }
0x67: {  	_ =	shalt  }
0x68: {  	_ =	shalt  }
0x69: {  	_ =	shalt  }
0x6a: {  	_ =	shalt  }
0x6b: {  	_ =	shalt  }
0x6c: {  	_ =	shalt  }
0x6d: {  	_ =	shalt  }
0x6e: {  	_ =	shalt  }
0x6f: {  	_ =	shalt  }
0x70: {  	_ =	shalt  }
0x71: {  	_ =	shalt  }
0x72: {  	_ =	shalt  }
0x73: {  	_ =	shalt  }
0x74: {  	_ =	shalt  }
0x75: {  	_ =	shalt  }
0x76: {  	_ =	shalt  }
0x77: {  	_ =	shalt  }
0x78: {  	_ =	shalt  }
0x79: {  	_ =	shalt  }
0x7a: {  	_ =	shalt  }
0x7b: {  	_ =	shalt  }
0x7c: {  	_ =	shalt  }
0x7d: {  	_ =	shalt  }
0x7e: {  	_ =	shalt  }
0x7f: {  	_ =	shalt  }
0x80: {  	_ =	shalt  }
0x81: {  	_ =	shalt  }
0x82: {  	_ =	shalt  }
0x83: {  	_ =	shalt  }
0x84: {  	_ =	shalt  }
0x85: {  	_ =	shalt  }
0x86: {  	_ =	shalt  }
0x87: {  	_ =	shalt  }
.Lfunc_end0:
.L_simem_size_0:
called_computation_lowered:
.L_overlay_start_0:
0x88: {  	s2 =	sld [smem:$0x3FD9]  }
0x89: {  	s3 =	sld [smem:$0x3FFE];
	_ =	sdelay $0x1  }
0x8a: {  	s1 =	srdreg.scid  }
0x8b: {  	s0 =	sand.u32 $0x1, s1  }
0x8c: {  	s17 =	sshll.u32 s0, $0xA;
	s2 =	sadd.s32 s3, s2  }
0x8d: {  	s2 =	sadd.s32 s2, s17  }
0x8e: {  	[smem:$0x3FBE] =	sst s2  }
0x8f: {  	_ = 	snop  }
0x90: {  	s2 =	sld [smem:$0x3FC9];
	(tm) =	ssettm $0x1  }
0x91: {  	s18 =	sld [smem:$0x3FFB];
	_ =	sdelay $0x3  }
0x92: {  	_ =	strace s18  }
0x93: {  	s3 =	sld [smem:$0x3FFC];
	_ =	sdelay $0x3  }
0x94: {  	_ =	strace s3  }
0x95: {  	s3 =	sld [smem:$0x3FFD];
	_ =	sdelay $0x3  }
0x96: {  	_ =	strace s3  }
0x97: {  	_ =	strace $0x8FFFFFFF  }
0x98: {  	s19 =	sld [smem:$0x3FDB];
	_ =	sdelay $0x1  }
0x99: {  	s4 =	simm.s32 $_scs_section_size  }
0x9a: {  	s5 =	simm.s32 $_size__tile_overlayer_lowered;
	s6 =	simm.s32 $_tile_overlayer_lowered  }
0x9b: {  	s22 =	simm.s32 $0x1BFF;
	s21 =	sshll.u32 s6, $0x1;
	s3 =	sadd.s32 s4, s19  }
0x9c: {  	s7 =	simm.s32 $0x0;
	s20 =	sshll.u32 s5, $0x1;
	s5 =	sadd.s32 s21, s3  }
0x9d: {  	[timem:s7], [sflag:s22] =	dma.local [hbm:s5], s20  }
0x9e: {  	_ =	swait.ge [sflag:s22], s20  }
0x9f: {  	s4 =	ssub.s32 $0x0, s20;
	[sflag:s22] =	ssyncset.done $0x0  }
0xa0: {  	[sflag:s22] =	ssyncadd.s32 s4;
	_ =	sdelay $0x1  }
0xa1: {  	s23 =	simm.s32 $0x1B8B  }
0xa2: {  	_ =	swait.ge [sflag:s23], $0x1  }
0xa3: {  	[sflag:s23] =	ssyncset.done $0x0  }
0xa4: {  	s25 =	simm.s32 $0x1B8E;
	s24 =	sld [smem:$0x3FFE];
	[sflag:s23] =	ssyncadd.s32 $0xFFFFFFFF  }
0xa5: {  	s26 =	simm.s32 $execute0_lowered;
	[smem:$0x3FD2] =	sst s25  }
0xa6: {  	s5 =	sshll.u32 s26, $0x1;
	_ =	strace $0x80000046;
	[dreg:$0x1] =	wrdreg $0xFFFFFFFF  }
0xa7: {  	s28 =	simm.s32 $_size_execute0_lowered;
	s3 =	sadd.s32 s3, s5;
	[dreg:$0x0] =	wrdreg $0x0  }
0xa8: {  	s5 =	sshll.u32 s28, $0x1;
	[dreg:$0x2] =	wrdreg s3  }
0xa9: {  	[dreg:$0x3] =	wrdreg s5  }
0xaa: {  	[dreg:$0x4] =	wrdreg $0xC0  }
0xab: {  	_ =	task [dreg:s7], $0x5FFFF  }
0xac: {  	[dreg:$0x1] =	wrdreg $0xFFFFFFFF  }
0xad: {  	[dreg:$0x0] =	wrdreg $0x60  }
0xae: {  	[dreg:$0x2] =	wrdreg s2  }
0xaf: {  	[dreg:$0x3] =	wrdreg s24  }
0xb0: {  	[dreg:$0x4] =	wrdreg $0x0  }
0xb1: {  	[dreg:$0x5] =	wrdreg $0x9  }
0xb2: {  	_ =	task.clear_ibuf [dreg:s7], $0x6FFFF;
	_ =	strace $0x90000046  }
0xb3: {  	s29 =	simm.s32 $0x9;
	_ =	strace $0x80000048  }
0xb4: {  	_ =	swait.ge [sflag:s29], $0x1  }
0xb5: {  	[sflag:s29] =	ssyncadd.s32 $0xFFFFFFFF  }
0xb6: {  	_ =	strace $0x90000048  }
0xb7: {  	_ =	sfence  }
0xb8: {  	s30 =	sld [smem:$0x0];
	_ =	sdelay $0x2  }
0xb9: {  	s31 =	sshll.u32 s1, $0xD;
	s1 =	sshrl.u32 s1, $0x2  }
0xba: {  	s3 =	sand.u32 $0x4000, s31;
	s1 =	sadd.s32 s1, s30  }
0xbb: {  	s0 =	sor.u32 s3, s0;
	s1 =	sshll.u32 s1, $0x11  }
0xbc: {  	s0 =	sor.u32 s1, s0  }
0xbd: {  	s0 =	sadd.s32 $0x8F2B, s0  }
0xbe: {  	[sflag:s0] =	ssyncadd.remote.s32 $0x1  }
0xbf: {  	_ =	sfence.sel $0xFFFF  }
0xc0: {  	[dreg:$0x0] =	wrdreg $0xFFFFFFFF;
	(pc) =	sbr.abs _section_cstart, $3  }
0xc1: {  	[dreg:$0x1] =	wrdreg $0xFFFFFFFF  }
0xc2: {  	_ =	task.clear_ibuf [dreg:s7], $0x2FFFF;
	_ =	strace $0x9FFFFFFF  }
0xc3: {  	(tm) =	ssettm $0x7FFFFFFF  }
tec
execute0_lowered:
.L_overlay_start_1:
0x0: {  	(tag) =	ssettag $0x1  }
0x1: {  	s1 =	rddreg [dreg:$0x0]  }
0x2: {  	s0 =	rddreg [dreg:$0x1]  }
0x3: {  	s3 =	rddreg [dreg:$0x2];
	s2 =	srdreg.scid  }
0x4: {  	s4 =	simm.s32 $0x0;
	s11 =	stileid.u32;
	s30 =	simm.s32 $0x14300  }
0x5: {  	s31 =	simm.s32 $0x14180;
	s29 =	simm.s32 $0x14080;
	s2 =	sand.u32 $0x1, s2  }
0x6: {  	[smem:$0x7FF] =	sst s4;
	s6 =	sshll.u32 s11, $0x1;
	s7 =	smul.u32 $0x14000, s11  }
0x7: {  	s17 =	sadd.s32 $0xB400, s0;
	s19 =	sadd.s32 $0x1600, s0;
	s20 =	smul.u32 $0x50000, s11  }
0x8: {  	s8 =	sadd.s32 $0x15200, s0;
	s21 =	smul.u32 $0x4E20, s11;
	s25 =	sshll.u32 s11, $0x6  }
0x9: {  	s5 =	smul.u32 $0x140000, s2;
	_ =	strace $0x80000047;
	s6 =	sor.u32 s2, s6  }
0xa: {  	[dreg:$0x4] =	wrdreg s8;
	s8 =	ssub.s32 $0x2, s2;
	s2 =	smul.u32 $0x2710, s2  }
0xb: {  	s11 =	simm.s32 $0x16C00;
	s6 =	smul.u32 $0x2710, s6;
	s10 =	sshrl.u32 s8, $0x1  }
0xc: {  	s24 =	sshrl.u32 s20, $0x2;
	s5 =	sadd.s32 s7, s5;
	s12 =	ssub.s32 s8, s10  }
0xd: {  	s2 =	sadd.s32 s2, s21;
	s8 =	simm.s32 $0x50;
	s5 =	sshrl.u32 s5, $0x3  }
0xe: {  	s9 =	sshrl.u32 s6, $0x3;
	s26 =	sadd.s32 $0x1E0, s2;
	s28 =	sadd.s32 $0x190, s2  }
0xf: {  	s0 =	sadd.s32 s5, s0;
	s13 =	sadd.s32 $0xA, s9;
	s14 =	sadd.s32 s17, s9  }
0x10: {  	s15 =	sadd.s32 s19, s9;
	s18 =	sadd.s32 $0x14, s9;
	s9 =	sadd.s32 $0x1E, s9  }
0x11: {  	s5 =	smax.u32 s12, $0x1;
	s21 =	sshrl.u32 s26, $0x3;
	[dreg:$0x5] =	wrdreg s14  }
0x12: {  	s12 =	simm.s32 $0x5;
	[dreg:$0x6] =	wrdreg s15;
	s16 =	sadd.s32 s17, s13  }
0x13: {  	s7 =	sadd.s32 s19, s13;
	s10 =	sadd.s32 s17, s18;
	[dreg:$0x10] =	wrdreg s5  }
0x14: {  	s22 =	sadd.s32 s17, s9;
	s23 =	sadd.s32 s19, s9;
	[dreg:$0x7] =	wrdreg s16  }
0x15: {  	s0 =	sadd.s32 $0x17A00, s0;
	s9 =	simm.s32 $0x14400;
	[dreg:$0x8] =	wrdreg s7  }
0x16: {  	s13 =	simm.s32 $0x3;
	s14 =	simm.s32 $0x6;
	[dreg:$0x9] =	wrdreg s10  }
0x17: {  	s15 =	simm.s32 $0x4;
	s7 =	sadd.s32 s19, s18;
	[dreg:$0xb] =	wrdreg s22  }
0x18: {  	[dreg:$0xc] =	wrdreg s23;
	s16 =	sor.u32 $0x1C07, s25;
	s18 =	sadd.s32 $0x140, s6  }
.Ltmp0:
0x19: {  	[dreg:$0xf] =	wrdreg s0;
	s22 =	sshrl.u32 s28, $0x3;
	(pc) =	sbr.rel .LBB2_1-.Ltmp0, $4  }
0x1a: {  	s23 =	sadd.s32 $0x140, s2;
	s25 =	simm.s32 $0x14200;
	s0 =	simm.s32 $0x14380  }
0x1b: {  	s2 =	simm.s32 $0x7;
	s10 =	simm.s32 $0x2;
	[dreg:$0xa] =	wrdreg s7  }
0x1c: {  	s6 =	simm.s32 $0x0;
	s7 =	sadd.s32 s24, s3;
	[dreg:$0xe] =	wrdreg s16  }
0x1d: {  	s24 =	simm.s32 $0x14000;
	[dreg:$0xd] =	wrdreg s7;
	s7 =	simm.s32 $0x1  }
.LBB2_4:
0x1e: {  	_ =	swait.ge [sflag:s12], $0x2800  }
0x1f: {  	[sflag:s12] =	ssyncset.done $0x0  }
0x20: {  	[sflag:s12] =	ssyncadd.s32 $0xFFFFD800  }
0x21: {  	[spmem:s3] =	stream.indirect.scatter.add.f32 [tilespmem:s9], [sflag:$0x7], $0x80, s25, s8, $0xb8;
	[tilespmem:$0x19400] =	vst v63  }
0x22: {  	_ =	swait.ge [sflag:s2], $0x2800  }
0x23: {  	[sflag:s2] =	ssyncset.done $0x0  }
0x24: {  	[sflag:s2] =	ssyncadd.s32 $0xFFFFD800  }
0x25: {  	[bflag:$0x0] =	sbarrier.arrive $0xFFFF  }
0x26: {  	s16 =	rddreg [dreg:$0xe]  }
0x27: {  	s5 =	rddreg [dreg:$0xf]  }
0x28: {  	s6 =	rddreg [dreg:$0x12]  }
0x29: {  	[hbm:s5], [sflag:s16] =	dma.local [spmem:s6], $0x2800  }
0x2a: {  	_ =	swait.ge [sflag:s2], $0x2800  }
0x2b: {  	s26 =	rddreg [dreg:$0x11]  }
0x2c: {  	s28 =	rddreg [dreg:$0x10];
	s6 =	sadd.s32 $0x1, s26  }
0x2d: {  	p0 =	sne.s32 s6, s28  }
.Ltmp1:
0x2e: {  	_ = 	snop;
	(pc) =	sbr.rel @!p0 .LBB2_5-.Ltmp1, $3  }
0x2f: {  	_ =	sdelay $0x1  }
0x30: {  	[sflag:s2] =	ssyncset.done $0x0  }
0x31: {  	[sflag:s2] =	ssyncadd.s32 $0xFFFFD800  }
.LBB2_1:
0x32: {  	[dreg:$0x11] =	wrdreg s6  }
0x33: {  	s5 =	rddreg [dreg:$0x5]  }
0x34: {  	s20 =	rddreg [dreg:$0x6]  }
0x35: {  	[tilespmem:s24], [sflag:$0x1] =	stream.linear.gather [hbm4b:s5+s4], $0x50, $0x38;
	[tilespmem:$0x19400] =	vst v63  }
0x36: {  	s26 =	rddreg [dreg:$0x7]  }
0x37: {  	[tilespmem:s25], [sflag:$0x1] =	stream.linear.gather [hbm4b:s20+s4], $0x50, $0x38;
	[tilespmem:$0x19400] =	vst v63  }
0x38: {  	s6 =	simm.s32 $0x14080;
	s28 =	rddreg [dreg:$0x8]  }
0x39: {  	[tilespmem:s6], [sflag:$0x2] =	stream.linear.gather [hbm4b:s26+s4], $0x50, $0x38;
	[tilespmem:$0x19400] =	vst v63  }
0x3a: {  	s20 =	simm.s32 $0x14280;
	s26 =	rddreg [dreg:$0x9]  }
0x3b: {  	[tilespmem:s20], [sflag:$0x2] =	stream.linear.gather [hbm4b:s28+s4], $0x50, $0x38;
	[tilespmem:$0x19400] =	vst v63  }
0x3c: {  	s28 =	simm.s32 $0x14100;
	s20 =	rddreg [dreg:$0xa]  }
0x3d: {  	[tilespmem:s28], [sflag:$0x3] =	stream.linear.gather [hbm4b:s26+s4], $0x50, $0x38;
	[tilespmem:$0x19400] =	vst v63  }
0x3e: {  	s26 =	rddreg [dreg:$0xb]  }
0x3f: {  	[tilespmem:s30], [sflag:$0x3] =	stream.linear.gather [hbm4b:s20+s4], $0x50, $0x38;
	[tilespmem:$0x19400] =	vst v63  }
0x40: {  	s20 =	rddreg [dreg:$0xd]  }
0x41: {  	[tilespmem:s31], [sflag:$0x4] =	stream.linear.gather [hbm4b:s26+s4], $0x50, $0x38;
	[tilespmem:$0x19400] =	vst v63  }
0x42: {  	s28 =	rddreg [dreg:$0xc];
	s26 =	sshrl.u32 s20, $0x3  }
0x43: {  	[dreg:$0x12] =	wrdreg s26  }
0x44: {  	[tilespmem:s0], [sflag:$0x4] =	stream.linear.gather [hbm4b:s28+s4], $0x50, $0x38;
	[tilespmem:$0x19400] =	vst v63  }
0x45: {  	s28 =	rddreg [dreg:$0x4]  }
0x46: {  	[spmem:s26], [sflag:s16] =	dma.local [hbm:s28], $0x2800  }
0x47: {  	_ =	swait.ge [sflag:s2], $0x2800  }
0x48: {  	[sflag:s2] =	ssyncset.done $0x0  }
0x49: {  	[sflag:s2] =	ssyncadd.s32 $0xFFFFD800  }
0x4a: {  	_ =	swait.ge [sflag:s7], $0x50  }
0x4b: {  	[sflag:s7] =	ssyncset.done $0x0  }
0x4c: {  	[sflag:s7] =	ssyncadd.s32 $0xFFFFFFB0  }
0x4d: {  	_ =	swait.ge [sflag:s7], $0x50  }
0x4e: {  	[sflag:s7] =	ssyncset.done $0x0  }
0x4f: {  	[sflag:s7] =	ssyncadd.s32 $0xFFFFFFB0  }
0x50: {  	[tilespmem:s9], [sflag:$0x5] =	stream.indirect.gather [hbm4b:s1+s8], $0x80, s24, s8, $0xb8;
	[tilespmem:$0x19400] =	vst v63  }
0x51: {  	_ =	swait.ge [sflag:s10], $0x50  }
0x52: {  	[sflag:s10] =	ssyncset.done $0x0  }
0x53: {  	[sflag:s10] =	ssyncadd.s32 $0xFFFFFFB0  }
0x54: {  	_ =	swait.ge [sflag:s10], $0x50  }
0x55: {  	[sflag:s10] =	ssyncset.done $0x0  }
0x56: {  	s5 =	smov.u32 s17;
	[sflag:s10] =	ssyncadd.s32 $0xFFFFFFB0  }
0x57: {  	[tilespmem:s11], [sflag:$0x6] =	stream.indirect.gather [hbm4b:s1+s8], $0x80, s6, s8, $0xb8;
	[tilespmem:$0x19400] =	vst v63  }
0x58: {  	s20 =	simm.s32 $0x0;
	s6 =	smov.u32 s19;
	[bflag:$0x0] =	sbarrier.arrive $0xFFFF  }
.LBB2_2:
0x59: {  	_ =	swait.ge [sflag:s12], $0x2800  }
0x5a: {  	[sflag:s12] =	ssyncset.done $0x0  }
0x5b: {  	[sflag:s12] =	ssyncadd.s32 $0xFFFFD800  }
0x5c: {  	[spmem:s3] =	stream.indirect.scatter.add.f32 [tilespmem:s9], [sflag:$0x7], $0x80, s25, s8, $0xb8;
	[tilespmem:$0x19400] =	vst v63  }
0x5d: {  	s16 =	sadd.s32 s20, s23;
	_ =	swait.ge [sflag:s2], $0x2800  }
0x5e: {  	s16 =	sshrl.u32 s16, $0x3;
	[sflag:s2] =	ssyncset.done $0x0  }
0x5f: {  	s26 =	sadd.s32 s17, s16;
	[sflag:s2] =	ssyncadd.s32 $0xFFFFD800  }
0x60: {  	[tilespmem:s24], [sflag:$0x1] =	stream.linear.gather [hbm4b:s26+s4], $0x50, $0x38;
	[tilespmem:$0x19400] =	vst v63  }
0x61: {  	s16 =	sadd.s32 s19, s16  }
0x62: {  	[tilespmem:s25], [sflag:$0x1] =	stream.linear.gather [hbm4b:s16+s4], $0x50, $0x38;
	[tilespmem:$0x19400] =	vst v63  }
0x63: {  	_ =	swait.ge [sflag:s13], $0x50  }
0x64: {  	[sflag:s13] =	ssyncset.done $0x0  }
0x65: {  	[sflag:s13] =	ssyncadd.s32 $0xFFFFFFB0  }
0x66: {  	_ =	swait.ge [sflag:s13], $0x50  }
0x67: {  	[sflag:s13] =	ssyncset.done $0x0  }
0x68: {  	s26 =	simm.s32 $0x14100;
	[sflag:s13] =	ssyncadd.s32 $0xFFFFFFB0  }
0x69: {  	[tilespmem:s9], [sflag:$0x5] =	stream.indirect.gather [hbm4b:s1+s8], $0x80, s26, s8, $0xb8;
	[tilespmem:$0x19400] =	vst v63  }
0x6a: {  	_ =	swait.ge [sflag:s14], $0x2800  }
0x6b: {  	[sflag:s14] =	ssyncset.done $0x0  }
0x6c: {  	s28 =	simm.s32 $0x14280;
	[sflag:s14] =	ssyncadd.s32 $0xFFFFD800  }
0x6d: {  	[spmem:s3] =	stream.indirect.scatter.add.f32 [tilespmem:s11], [sflag:$0x7], $0x80, s28, s8, $0xb8;
	[tilespmem:$0x19400] =	vst v63  }
0x6e: {  	p0 =	seq.s32 s20, $0x2580;
	_ =	swait.ge [sflag:s2], $0x2800  }
0x6f: {  	s16 =	sadd.s32 @!p0 s5, s22;
	[sflag:s2] =	ssyncset.done $0x0  }
0x70: {  	s26 =	simm.s32 @!p0 $0x0;
	s28 =	simm.s32 @!p0 $0x14080;
	[sflag:s2] =	ssyncadd.s32 $0xFFFFD800  }
0x71: {  	[tilespmem:s28], [sflag:$0x2] =	stream.linear.gather @!p0 [hbm4b:s16+s26], $0x50, $0x38;
	[tilespmem:$0x19400] =	vst v63  }
0x72: {  	s16 =	sadd.s32 @!p0 s6, s22;
	s28 =	simm.s32 @!p0 $0x14280  }
0x73: {  	[tilespmem:s28], [sflag:$0x2] =	stream.linear.gather @!p0 [hbm4b:s16+s26], $0x50, $0x38;
	[tilespmem:$0x19400] =	vst v63  }
0x74: {  	_ =	swait.ge [sflag:s15], $0x50  }
0x75: {  	[sflag:s15] =	ssyncset.done $0x0  }
0x76: {  	[sflag:s15] =	ssyncadd.s32 $0xFFFFFFB0  }
0x77: {  	_ =	swait.ge [sflag:s15], $0x50  }
0x78: {  	[sflag:s15] =	ssyncset.done $0x0  }
0x79: {  	[sflag:s15] =	ssyncadd.s32 $0xFFFFFFB0  }
0x7a: {  	[tilespmem:s11], [sflag:$0x6] =	stream.indirect.gather [hbm4b:s1+s8], $0x80, s31, s8, $0xb8;
	[tilespmem:$0x19400] =	vst v63  }
0x7b: {  	_ =	swait.ge [sflag:s12], $0x2800  }
0x7c: {  	[sflag:s12] =	ssyncset.done $0x0  }
0x7d: {  	[sflag:s12] =	ssyncadd.s32 $0xFFFFD800  }
0x7e: {  	[spmem:s3] =	stream.indirect.scatter.add.f32 [tilespmem:s9], [sflag:$0x7], $0x80, s30, s8, $0xb8;
	[tilespmem:$0x19400] =	vst v63  }
0x7f: {  	_ =	swait.ge [sflag:s2], $0x2800  }
0x80: {  	[sflag:s2] =	ssyncset.done $0x0  }
0x81: {  	s16 =	sadd.s32 @!p0 s5, s21;
	s28 =	simm.s32 @!p0 $0x14100;
	[sflag:s2] =	ssyncadd.s32 $0xFFFFD800  }
0x82: {  	[tilespmem:s28], [sflag:$0x3] =	stream.linear.gather @!p0 [hbm4b:s16+s26], $0x50, $0x38;
	[tilespmem:$0x19400] =	vst v63  }
0x83: {  	s16 =	sadd.s32 @!p0 s6, s21;
	s28 =	simm.s32 @!p0 $0x14300  }
0x84: {  	[tilespmem:s28], [sflag:$0x3] =	stream.linear.gather @!p0 [hbm4b:s16+s26], $0x50, $0x38;
	[tilespmem:$0x19400] =	vst v63  }
0x85: {  	_ =	swait.ge [sflag:s7], $0x50  }
0x86: {  	[sflag:s7] =	ssyncset.done $0x0  }
0x87: {  	[sflag:s7] =	ssyncadd.s32 $0xFFFFFFB0  }
0x88: {  	_ =	swait.ge [sflag:s7], $0x50  }
0x89: {  	[sflag:s7] =	ssyncset.done $0x0  }
0x8a: {  	[sflag:s7] =	ssyncadd.s32 $0xFFFFFFB0  }
0x8b: {  	[tilespmem:s9], [sflag:$0x5] =	stream.indirect.gather [hbm4b:s1+s8], $0x80, s24, s8, $0xb8;
	[tilespmem:$0x19400] =	vst v63  }
0x8c: {  	_ =	swait.ge [sflag:s14], $0x2800  }
0x8d: {  	[sflag:s14] =	ssyncset.done $0x0  }
.Ltmp2:
0x8e: {  	[sflag:s14] =	ssyncadd.s32 $0xFFFFD800;
	(pc) =	sbr.rel @p0 .LBB2_4-.Ltmp2, $4  }
0x8f: {  	[spmem:s3] =	stream.indirect.scatter.add.f32 [tilespmem:s11], [sflag:$0x7], $0x80, s0, s8, $0xb8;
	[tilespmem:$0x19400] =	vst v63  }
0x90: {  	_ =	swait.ge [sflag:s2], $0x2800  }
0x91: {  	[sflag:s2] =	ssyncset.done $0x0  }
0x92: {  	[sflag:s2] =	ssyncadd.s32 $0xFFFFD800  }
0x93: {  	s16 =	sadd.s32 @!p0 $0xF0, s20  }
0x94: {  	s16 =	simm.s32 @p0 $0x2670  }
0x95: {  	s16 =	sadd.s32 s16, s18  }
0x96: {  	s16 =	sshrl.u32 s16, $0x3  }
0x97: {  	s26 =	sadd.s32 s17, s16  }
0x98: {  	[tilespmem:s31], [sflag:$0x4] =	stream.linear.gather [hbm4b:s26+s4], $0x50, $0x38;
	[tilespmem:$0x19400] =	vst v63  }
0x99: {  	s16 =	sadd.s32 s19, s16  }
0x9a: {  	[tilespmem:s0], [sflag:$0x4] =	stream.linear.gather [hbm4b:s16+s4], $0x50, $0x38;
	[tilespmem:$0x19400] =	vst v63  }
0x9b: {  	_ =	swait.ge [sflag:s10], $0x50  }
0x9c: {  	[sflag:s10] =	ssyncset.done $0x0  }
.Ltmp3:
0x9d: {  	[sflag:s10] =	ssyncadd.s32 $0xFFFFFFB0;
	(pc) =	sbr.rel .LBB2_2-.Ltmp3, $4  }
0x9e: {  	_ =	swait.ge [sflag:s10], $0x50  }
0x9f: {  	s6 =	sadd.s32 $0x28, s6;
	[sflag:s10] =	ssyncset.done $0x0  }
0xa0: {  	s5 =	sadd.s32 $0x28, s5;
	s20 =	sadd.s32 $0x140, s20;
	[sflag:s10] =	ssyncadd.s32 $0xFFFFFFB0  }
0xa1: {  	[tilespmem:s11], [sflag:$0x6] =	stream.indirect.gather [hbm4b:s1+s8], $0x80, s29, s8, $0xb8;
	[tilespmem:$0x19400] =	vst v63  }
.LBB2_5:
0xa2: {  	_ =	sfence.sel $0x180000  }
0xa3: {  	[bflag:$0x0] =	sbarrier.arrive $0xFFFF  }
0xa4: {  	_ =	strace $0x90000047  }
0xa5: {  	s0 =	stileid.u32;
	[bflag:$0x2] =	sbarrier.arrive $0xFFFF  }
0xa6: {  	p0 =	sne.s32 s0, $0x0;
	s0 =	rddreg [dreg:$0x3]  }
0xa7: {  	s0 =	sadd.s32 @!p0 $0x100000, s0  }
0xa8: {  	[sflag:s0] =	ssyncadd.tile.s32 @!p0 $0x1;
	_ =	shalt  }
.Lfunc_end2:
_tile_overlayer_lowered:
.L_overlay_start_2:
0xa9: {  	(tag) =	ssettag $0x2  }
0xaa: {  	s0 =	rddreg [dreg:$0x0];
	s2 =	stileid.u32  }
0xab: {  	s1 =	rddreg [dreg:$0x1];
	p0 =	sne.s32 s2, $0x0  }
0xac: {  	s3 =	rddreg [dreg:$0x2];
	[bflag:$0x3] =	sbarrier.arrive $0xFFFF;
	s2 =	simm.s32 @!p0 $0x1C07  }
0xad: {  	[timem:s3], [sflag:s2] =	dma.local @!p0 [hbm:s0], s1  }
0xae: {  	s0 =	simm.s32 @!p0 $0x7  }
0xaf: {  	_ =	swait.ge @!p0 [sflag:s0], s1  }
0xb0: {  	s1 =	ssub.s32 @!p0 $0x0, s1;
	[sflag:s0] =	ssyncset.done @!p0 $0x0  }
0xb1: {  	[sflag:s0] =	ssyncadd.s32 @!p0 s1  }
0xb2: {  	[bflag:$0x3] =	sbarrier.arrive $0xFFFF  }
0xb3: {  	_ =	shalt  }

</sc_bundles>
